<compile_context>
chip_gen: v7x
topology: tpu7x:2x2x1
jax: 0.10.2.dev20260603
libtpu: 0.0.44.dev20260713+nightly
codegen_flags: <defaults>
</compile_context>

<pallas_src>
import jax
import jax.numpy as jnp
import numpy as np
from jax import lax
from jax.experimental import pallas as pl
from jax.experimental.pallas import tpu as pltpu
from jax.experimental.pallas import tpu_sc as plsc

_D = 256
_N = 8192
_NC = 2
_NS = 16
_NW = _NC * _NS
_L = 16
_ROWS = _N // _NW
_CHUNK = 64
_NCHUNK = _ROWS // _CHUNK
_DCH = _D // _L
_IMAX = np.int32(2**31 - 1)


def _lane15(x, fifteen):
    return x.at[fifteen].get(mode="promise_in_bounds")


def _sc_body(emb_hbm, cent_hbm, sim_hbm, idx_hbm,
             e_v, buf0, buf1, st_f, st_i, sem0, sem1):
    cid = lax.axis_index("c")
    sid = lax.axis_index("s")
    wid = cid * _NS + sid
    base = wid * _ROWS

    pltpu.sync_copy(emb_hbm, e_v)

    fifteen = jnp.broadcast_to(np.int32(_L - 1), (_L,))

    ech = [e_v[pl.ds(j * _L, _L)] for j in range(_DCH)]

    a_b = jnp.full((_L,), -jnp.inf, jnp.float32)
    sq_b = jnp.ones((_L,), jnp.float32)
    bx = jnp.zeros((_L,), jnp.int32)

    bufs = (buf0, buf1)
    sems = (sem0, sem1)
    copies = [None, None]
    copies[0] = pltpu.async_copy(cent_hbm.at[pl.ds(base, _CHUNK)], buf0, sem0)
    for ci in range(_NCHUNK):
        if ci + 1 < _NCHUNK:
            nxt = (ci + 1) % 2
            copies[nxt] = pltpu.async_copy(
                cent_hbm.at[pl.ds(base + (ci + 1) * _CHUNK, _CHUNK)],
                bufs[nxt], sems[nxt])
        copies[ci % 2].wait()
        buf = bufs[ci % 2]
        row0 = base + ci * _CHUNK

        def row_body(r, carry, buf=buf, row0=row0):
            a_b, sq_b, bx = carry
            dps = [jnp.zeros((_L,), jnp.float32) for _ in range(4)]
            sps = [jnp.zeros((_L,), jnp.float32) for _ in range(4)]
            for j in range(_DCH):
                c = buf[r, pl.ds(j * _L, _L)]
                k = j % 4
                dps[k] = dps[k] + c * ech[j]
                sps[k] = sps[k] + c * c
            dot = (dps[0] + dps[1]) + (dps[2] + dps[3])
            sq = (sps[0] + sps[1]) + (sps[2] + sps[3])
            dotr = plsc.cumsum(dot)
            sqr = plsc.cumsum(sq)
            a = dotr * jnp.abs(dotr)
            better = a * sq_b > a_b * sqr
            ridx = jnp.broadcast_to(row0 + r, (_L,))
            a_b = jnp.where(better, a, a_b)
            sq_b = jnp.where(better, sqr, sq_b)
            bx = jnp.where(better, ridx, bx)
            return a_b, sq_b, bx

        a_b, sq_b, bx = lax.fori_loop(0, _CHUNK, row_body, (a_b, sq_b, bx))

    esq = jnp.zeros((_L,), jnp.float32)
    for j in range(_DCH):
        esq = esq + ech[j] * ech[j]
    en2_v = jnp.maximum(_lane15(plsc.cumsum(esq), fifteen), 1e-24)

    a15 = _lane15(a_b, fifteen)
    sq15 = _lane15(sq_b, fifteen)
    qf = jnp.clip(a15 / (jnp.maximum(sq15, 1e-24) * en2_v), 0.0, 1.0)
    st_f[...] = qf
    st_i[...] = _lane15(bx, fifteen)
    pltpu.sync_copy(st_f, sim_hbm.at[wid])
    pltpu.sync_copy(st_i, idx_hbm.at[wid])


_sc_call = pl.kernel(
    _sc_body,
    out_type=(jax.ShapeDtypeStruct((_NW, _L), jnp.float32),
              jax.ShapeDtypeStruct((_NW, _L), jnp.int32)),
    mesh=plsc.VectorSubcoreMesh(core_axis_name="c", subcore_axis_name="s"),
    scratch_types=[
        pltpu.VMEM((_D,), jnp.float32),
        pltpu.VMEM((_CHUNK, _D), jnp.float32),
        pltpu.VMEM((_CHUNK, _D), jnp.float32),
        pltpu.VMEM((_L,), jnp.float32),
        pltpu.VMEM((_L,), jnp.int32),
        pltpu.SemaphoreType.DMA,
        pltpu.SemaphoreType.DMA,
    ],
    compiler_params=pltpu.CompilerParams(needs_layout_passes=False),
)


def _merge_body(s_ref, i_ref, nov_ref, cls_ref):
    s = s_ref[...]
    i = i_ref[...]
    m = jnp.max(s)
    cand = jnp.where(s == m, i, _IMAX)
    max_sim = jnp.sqrt(m)
    nov_ref[0, 0] = jnp.minimum(jnp.sqrt(jnp.maximum(1.0 - max_sim, 0.0)), 1.0)
    cls_ref[0, 0] = jnp.where(m <= 0.0, np.int32(0), jnp.min(cand))


def kernel(embedding, centroids):
    sims, idxs = _sc_call(embedding, centroids)
    nov, cls = pl.pallas_call(
        _merge_body,
        out_shape=(jax.ShapeDtypeStruct((1, 1), jnp.float32),
                   jax.ShapeDtypeStruct((1, 1), jnp.int32)),
        out_specs=(pl.BlockSpec(memory_space=pltpu.SMEM),
                   pl.BlockSpec(memory_space=pltpu.SMEM)),
    )(sims, idxs)
    return nov.reshape(()), cls.reshape(())

# --- scband reference (transcript-rebuilt; emitter-appended) ---
"""Pipeline reference for scband-semantic-novelty-tracker-70205535420793 (READ-ONLY COPY).

The authoritative reference and input builder live on the scoring server;
editing this copy changes nothing except your own understanding.
"""

import jax, jax.numpy as jnp
import numpy as np

D_MODEL = 256
NUM_CLUSTERS = 8192


def setup_inputs(seed: int = 0) -> dict:
    key = jax.random.key(seed)
    k1, k2 = jax.random.split(key)
    embedding = jax.random.normal(k1, (D_MODEL,), dtype=jnp.float32)
    # Learned/buffer state: centroids. The torch module registers a zero buffer and
    # fills it online; we model the steady state where all num_clusters slots are
    # active and populated (active == num_clusters).
    centroids = jax.random.normal(k2, (NUM_CLUSTERS, D_MODEL), dtype=jnp.float32)
    return {"embedding": embedding, "centroids": centroids}


def reference(embedding, centroids):
    # Faithful translation of SemanticNoveltyTracker.compute_novelty with
    # active == num_clusters, vectorized over the per-centroid python loop.
    emb = embedding.reshape(-1)
    # F.normalize(emb, p=2, dim=-1), eps=1e-12
    emb_norm = emb / jnp.maximum(jnp.linalg.norm(emb), 1e-12)
    # F.normalize(centroids[i], p=2, dim=-1) per row
    cent_norm = centroids / jnp.maximum(
        jnp.linalg.norm(centroids, axis=-1, keepdims=True), 1e-12
    )
    # F.cosine_similarity(emb_norm, cent, dim=0): both operands already unit norm,
    # so the dot product is the cosine similarity.
    sims = cent_norm @ emb_norm  # [NUM_CLUSTERS]
    # sim = max(0.0, min(1.0, sim))
    sims = jnp.clip(sims, 0.0, 1.0)
    max_sim = jnp.max(sims)
    closest = jnp.argmax(sims).astype(jnp.int32)
    # novelty = (1 - max_sim) ** 0.5, clamped to [0, 1]
    novelty = jnp.clip(jnp.sqrt(jnp.maximum(1.0 - max_sim, 0.0)), 0.0, 1.0)
    return novelty, closest

if __name__ == "__main__":
    import jax
    _d = setup_inputs()
    print(jax.jit(kernel)(*tuple(_d.values())))

</pallas_src>

<mosaic_0001>
#map = affine_map<(d0, d1) -> (0)>
#map1 = affine_map<(d0, d1) -> (0, 0)>
module attributes {stable_mosaic.version = 14 : i64} {
  func.func @_sc_body(%arg0: i32, %arg1: i32, %arg2: memref<256xf32, #tpu.memory_space<hbm>>, %arg3: memref<8192x256xf32, #tpu.memory_space<hbm>>, %arg4: memref<32x16xf32, #tpu.memory_space<hbm>>, %arg5: memref<32x16xi32, #tpu.memory_space<hbm>>, %arg6: memref<256xf32, #tpu.memory_space<vmem>>, %arg7: memref<64x256xf32, #tpu.memory_space<vmem>>, %arg8: memref<64x256xf32, #tpu.memory_space<vmem>>, %arg9: memref<16xf32, #tpu.memory_space<vmem>>, %arg10: memref<16xi32, #tpu.memory_space<vmem>>, %arg11: memref<!tpu.dma_semaphore, #tpu.memory_space<semaphore_mem>>, %arg12: memref<!tpu.dma_semaphore, #tpu.memory_space<semaphore_mem>>) attributes {dimension_semantics = [#tpu.dimension_semantics<core_parallel>, #tpu.dimension_semantics<subcore_parallel>], iteration_bounds = array<i64: 2, 16>, scalar_prefetch = 0 : i64, scratch_operands = 7 : i64, tpu.core_type = #tpu.core_type<sc_vector_subcore>, window_params = [{transform_indices = #map}, {transform_indices = #map1}, {transform_indices = #map1}, {transform_indices = #map1}]} {
    %mul3A = arith.constant 16 : i32
    %mul3A_0 = arith.muli %arg0, %mul3A : i32
    %add3A = arith.addi %mul3A_0, %arg1 : i32
    %mul3A_1 = arith.constant 256 : i32
    %mul3A_2 = arith.muli %add3A, %mul3A_1 : i32
    "tpu.region"() ({
      %run_scoped3A = tpu.sem_alloc : memref<!tpu.dma_semaphore, #tpu.memory_space<semaphore_mem>>
      tpu.enqueue_dma source(%arg2 : memref<256xf32, #tpu.memory_space<hbm>>) target(%arg6 : memref<256xf32, #tpu.memory_space<vmem>>) target_semaphore(%run_scoped3A : memref<!tpu.dma_semaphore, #tpu.memory_space<semaphore_mem>>)
      tpu.wait_dma2 semaphore(%run_scoped3A : memref<!tpu.dma_semaphore, #tpu.memory_space<semaphore_mem>>) src(%arg2 : memref<256xf32, #tpu.memory_space<hbm>>) dst(%arg6 : memref<256xf32, #tpu.memory_space<vmem>>)
      tpu.yield
    }) : () -> ()
    %broadcast_in_dim3A = arith.constant 15 : i32
    %broadcast_in_dim3A_3 = vector.broadcast %broadcast_in_dim3A : i32 to vector<16xi32>
    %get3A = arith.constant 0 : index
    %get3A_4 = tpu.vector_load %arg6[%get3A] {strides = array<i32>} : memref<256xf32, #tpu.memory_space<vmem>>, vector<16xf32>,
    %get3A_5 = arith.constant 16 : index
    %get3A_6 = tpu.vector_load %arg6[%get3A_5] {strides = array<i32>} : memref<256xf32, #tpu.memory_space<vmem>>, vector<16xf32>,
    %get3A_7 = arith.constant 32 : index
    %get3A_8 = tpu.vector_load %arg6[%get3A_7] {strides = array<i32>} : memref<256xf32, #tpu.memory_space<vmem>>, vector<16xf32>,
    %get3A_9 = arith.constant 48 : index
    %get3A_10 = tpu.vector_load %arg6[%get3A_9] {strides = array<i32>} : memref<256xf32, #tpu.memory_space<vmem>>, vector<16xf32>,
    %get3A_11 = arith.constant 64 : index
    %get3A_12 = tpu.vector_load %arg6[%get3A_11] {strides = array<i32>} : memref<256xf32, #tpu.memory_space<vmem>>, vector<16xf32>,
    %get3A_13 = arith.constant 80 : index
    %get3A_14 = tpu.vector_load %arg6[%get3A_13] {strides = array<i32>} : memref<256xf32, #tpu.memory_space<vmem>>, vector<16xf32>,
    %get3A_15 = arith.constant 96 : index
    %get3A_16 = tpu.vector_load %arg6[%get3A_15] {strides = array<i32>} : memref<256xf32, #tpu.memory_space<vmem>>, vector<16xf32>,
    %get3A_17 = arith.constant 112 : index
    %get3A_18 = tpu.vector_load %arg6[%get3A_17] {strides = array<i32>} : memref<256xf32, #tpu.memory_space<vmem>>, vector<16xf32>,
    %get3A_19 = arith.constant 128 : index
    %get3A_20 = tpu.vector_load %arg6[%get3A_19] {strides = array<i32>} : memref<256xf32, #tpu.memory_space<vmem>>, vector<16xf32>,
    %get3A_21 = arith.constant 144 : index
    %get3A_22 = tpu.vector_load %arg6[%get3A_21] {strides = array<i32>} : memref<256xf32, #tpu.memory_space<vmem>>, vector<16xf32>,
    %get3A_23 = arith.constant 160 : index
    %get3A_24 = tpu.vector_load %arg6[%get3A_23] {strides = array<i32>} : memref<256xf32, #tpu.memory_space<vmem>>, vector<16xf32>,
    %get3A_25 = arith.constant 176 : index
    %get3A_26 = tpu.vector_load %arg6[%get3A_25] {strides = array<i32>} : memref<256xf32, #tpu.memory_space<vmem>>, vector<16xf32>,
    %get3A_27 = arith.constant 192 : index
    %get3A_28 = tpu.vector_load %arg6[%get3A_27] {strides = array<i32>} : memref<256xf32, #tpu.memory_space<vmem>>, vector<16xf32>,
    %get3A_29 = arith.constant 208 : index
    %get3A_30 = tpu.vector_load %arg6[%get3A_29] {strides = array<i32>} : memref<256xf32, #tpu.memory_space<vmem>>, vector<16xf32>,
    %get3A_31 = arith.constant 224 : index
    %get3A_32 = tpu.vector_load %arg6[%get3A_31] {strides = array<i32>} : memref<256xf32, #tpu.memory_space<vmem>>, vector<16xf32>,
    %get3A_33 = arith.constant 240 : index
    %get3A_34 = tpu.vector_load %arg6[%get3A_33] {strides = array<i32>} : memref<256xf32, #tpu.memory_space<vmem>>, vector<16xf32>,
    %broadcast_in_dim3A_35 = arith.constant 0xFF800000 : f32
    %broadcast_in_dim3A_36 = vector.broadcast %broadcast_in_dim3A_35 : f32 to vector<16xf32>
    %broadcast_in_dim3A_37 = arith.constant 1.000000e+00 : f32
    %broadcast_in_dim3A_38 = vector.broadcast %broadcast_in_dim3A_37 : f32 to vector<16xf32>
    %broadcast_in_dim3A_39 = arith.constant 0 : i32
    %broadcast_in_dim3A_40 = vector.broadcast %broadcast_in_dim3A_39 : i32 to vector<16xi32>
    %dma_start3A = arith.constant 0 : i32
    %dma_start3A_41 = tpu.memref_slice %arg3[%mul3A_2, %dma_start3A] : memref<8192x256xf32, #tpu.memory_space<hbm>> -> memref<64x256xf32, #tpu.memory_space<hbm>>
    %dma_start3A_42 = arith.constant 0 : i32
    %dma_start3A_43 = tpu.memref_slice %arg3[%mul3A_2, %dma_start3A_42] : memref<8192x256xf32, #tpu.memory_space<hbm>> -> memref<64x256xf32, #tpu.memory_space<hbm>>
    tpu.enqueue_dma source(%dma_start3A_43 : memref<64x256xf32, #tpu.memory_space<hbm>>) target(%arg7 : memref<64x256xf32, #tpu.memory_space<vmem>>) target_semaphore(%arg11 : memref<!tpu.dma_semaphore, #tpu.memory_space<semaphore_mem>>)
    %add3A_44 = arith.constant 64 : i32
    %add3A_45 = arith.addi %mul3A_2, %add3A_44 : i32
    %dma_start3A_46 = arith.constant 0 : i32
    %dma_start3A_47 = tpu.memref_slice %arg3[%add3A_45, %dma_start3A_46] : memref<8192x256xf32, #tpu.memory_space<hbm>> -> memref<64x256xf32, #tpu.memory_space<hbm>>
    %dma_start3A_48 = arith.constant 0 : i32
    %dma_start3A_49 = tpu.memref_slice %arg3[%add3A_45, %dma_start3A_48] : memref<8192x256xf32, #tpu.memory_space<hbm>> -> memref<64x256xf32, #tpu.memory_space<hbm>>
    tpu.enqueue_dma source(%dma_start3A_49 : memref<64x256xf32, #tpu.memory_space<hbm>>) target(%arg8 : memref<64x256xf32, #tpu.memory_space<vmem>>) target_semaphore(%arg12 : memref<!tpu.dma_semaphore, #tpu.memory_space<semaphore_mem>>)
    %dma_wait3A = arith.constant 0 : i32
    %dma_wait3A_50 = tpu.memref_slice %arg3[%mul3A_2, %dma_wait3A] : memref<8192x256xf32, #tpu.memory_space<hbm>> -> memref<64x256xf32, #tpu.memory_space<hbm>>
    %dma_wait3A_51 = arith.constant 0 : i32
    %dma_wait3A_52 = tpu.memref_slice %arg3[%mul3A_2, %dma_wait3A_51] : memref<8192x256xf32, #tpu.memory_space<hbm>> -> memref<64x256xf32, #tpu.memory_space<hbm>>
    tpu.wait_dma2 semaphore(%arg11 : memref<!tpu.dma_semaphore, #tpu.memory_space<semaphore_mem>>) src(%dma_wait3A_52 : memref<64x256xf32, #tpu.memory_space<hbm>>) dst(%arg7 : memref<64x256xf32, #tpu.memory_space<vmem>>)
    %add3A_53 = arith.constant 0 : i32
    %add3A_54 = arith.addi %mul3A_2, %add3A_53 : i32
    %scan3A = arith.constant 0 : i32
    %scan3A_55 = arith.constant 64 : i32
    %scan3A_56 = arith.addi %scan3A, %scan3A_55 : i32
    %scan3A_57 = arith.constant 1 : i32
    %scan3A_58:3 = scf.for %scan3A_194 = %scan3A to %scan3A_56 step %scan3A_57 iter_args(%scan3A_195 = %broadcast_in_dim3A_36, %scan3A_196 = %broadcast_in_dim3A_38, %scan3A_197 = %broadcast_in_dim3A_40) -> (vector<16xf32>, vector<16xf32>, vector<16xi32>)  : i32 {
      %broadcast_in_dim3A_198 = arith.constant 0.000000e+00 : f32
      %broadcast_in_dim3A_199 = vector.broadcast %broadcast_in_dim3A_198 : f32 to vector<16xf32>
      %broadcast_in_dim3A_200 = arith.constant 0.000000e+00 : f32
      %broadcast_in_dim3A_201 = vector.broadcast %broadcast_in_dim3A_200 : f32 to vector<16xf32>
      %broadcast_in_dim3A_202 = arith.constant 0.000000e+00 : f32
      %broadcast_in_dim3A_203 = vector.broadcast %broadcast_in_dim3A_202 : f32 to vector<16xf32>
      %broadcast_in_dim3A_204 = arith.constant 0.000000e+00 : f32
      %broadcast_in_dim3A_205 = vector.broadcast %broadcast_in_dim3A_204 : f32 to vector<16xf32>
      %broadcast_in_dim3A_206 = arith.constant 0.000000e+00 : f32
      %broadcast_in_dim3A_207 = vector.broadcast %broadcast_in_dim3A_206 : f32 to vector<16xf32>
      %broadcast_in_dim3A_208 = arith.constant 0.000000e+00 : f32
      %broadcast_in_dim3A_209 = vector.broadcast %broadcast_in_dim3A_208 : f32 to vector<16xf32>
      %broadcast_in_dim3A_210 = arith.constant 0.000000e+00 : f32
      %broadcast_in_dim3A_211 = vector.broadcast %broadcast_in_dim3A_210 : f32 to vector<16xf32>
      %broadcast_in_dim3A_212 = arith.constant 0.000000e+00 : f32
      %broadcast_in_dim3A_213 = vector.broadcast %broadcast_in_dim3A_212 : f32 to vector<16xf32>
      %get3A_214 = arith.index_cast %scan3A_194 : i32 to index
      %get3A_215 = arith.constant 0 : index
      %get3A_216 = tpu.vector_load %arg7[%get3A_214, %get3A_215] {strides = array<i32>} : memref<64x256xf32, #tpu.memory_space<vmem>>, vector<16xf32>,
      %mul3A_217 = arith.mulf %get3A_216, %get3A_4 : vector<16xf32>
      %add3A_218 = arith.addf %broadcast_in_dim3A_199, %mul3A_217 : vector<16xf32>
      %mul3A_219 = arith.mulf %get3A_216, %get3A_216 : vector<16xf32>
      %add3A_220 = arith.addf %broadcast_in_dim3A_207, %mul3A_219 : vector<16xf32>
      %get3A_221 = arith.index_cast %scan3A_194 : i32 to index
      %get3A_222 = arith.constant 16 : index
      %get3A_223 = tpu.vector_load %arg7[%get3A_221, %get3A_222] {strides = array<i32>} : memref<64x256xf32, #tpu.memory_space<vmem>>, vector<16xf32>,
      %mul3A_224 = arith.mulf %get3A_223, %get3A_6 : vector<16xf32>
      %add3A_225 = arith.addf %broadcast_in_dim3A_201, %mul3A_224 : vector<16xf32>
      %mul3A_226 = arith.mulf %get3A_223, %get3A_223 : vector<16xf32>
      %add3A_227 = arith.addf %broadcast_in_dim3A_209, %mul3A_226 : vector<16xf32>
      %get3A_228 = arith.index_cast %scan3A_194 : i32 to index
      %get3A_229 = arith.constant 32 : index
      %get3A_230 = tpu.vector_load %arg7[%get3A_228, %get3A_229] {strides = array<i32>} : memref<64x256xf32, #tpu.memory_space<vmem>>, vector<16xf32>,
      %mul3A_231 = arith.mulf %get3A_230, %get3A_8 : vector<16xf32>
      %add3A_232 = arith.addf %broadcast_in_dim3A_203, %mul3A_231 : vector<16xf32>
      %mul3A_233 = arith.mulf %get3A_230, %get3A_230 : vector<16xf32>
      %add3A_234 = arith.addf %broadcast_in_dim3A_211, %mul3A_233 : vector<16xf32>
      %get3A_235 = arith.index_cast %scan3A_194 : i32 to index
      %get3A_236 = arith.constant 48 : index
      %get3A_237 = tpu.vector_load %arg7[%get3A_235, %get3A_236] {strides = array<i32>} : memref<64x256xf32, #tpu.memory_space<vmem>>, vector<16xf32>,
      %mul3A_238 = arith.mulf %get3A_237, %get3A_10 : vector<16xf32>
      %add3A_239 = arith.addf %broadcast_in_dim3A_205, %mul3A_238 : vector<16xf32>
      %mul3A_240 = arith.mulf %get3A_237, %get3A_237 : vector<16xf32>
      %add3A_241 = arith.addf %broadcast_in_dim3A_213, %mul3A_240 : vector<16xf32>
      %get3A_242 = arith.index_cast %scan3A_194 : i32 to index
      %get3A_243 = arith.constant 64 : index
      %get3A_244 = tpu.vector_load %arg7[%get3A_242, %get3A_243] {strides = array<i32>} : memref<64x256xf32, #tpu.memory_space<vmem>>, vector<16xf32>,
      %mul3A_245 = arith.mulf %get3A_244, %get3A_12 : vector<16xf32>
      %add3A_246 = arith.addf %add3A_218, %mul3A_245 : vector<16xf32>
      %mul3A_247 = arith.mulf %get3A_244, %get3A_244 : vector<16xf32>
      %add3A_248 = arith.addf %add3A_220, %mul3A_247 : vector<16xf32>
      %get3A_249 = arith.index_cast %scan3A_194 : i32 to index
      %get3A_250 = arith.constant 80 : index
      %get3A_251 = tpu.vector_load %arg7[%get3A_249, %get3A_250] {strides = array<i32>} : memref<64x256xf32, #tpu.memory_space<vmem>>, vector<16xf32>,
      %mul3A_252 = arith.mulf %get3A_251, %get3A_14 : vector<16xf32>
      %add3A_253 = arith.addf %add3A_225, %mul3A_252 : vector<16xf32>
      %mul3A_254 = arith.mulf %get3A_251, %get3A_251 : vector<16xf32>
      %add3A_255 = arith.addf %add3A_227, %mul3A_254 : vector<16xf32>
      %get3A_256 = arith.index_cast %scan3A_194 : i32 to index
      %get3A_257 = arith.constant 96 : index
      %get3A_258 = tpu.vector_load %arg7[%get3A_256, %get3A_257] {strides = array<i32>} : memref<64x256xf32, #tpu.memory_space<vmem>>, vector<16xf32>,
      %mul3A_259 = arith.mulf %get3A_258, %get3A_16 : vector<16xf32>
      %add3A_260 = arith.addf %add3A_232, %mul3A_259 : vector<16xf32>
      %mul3A_261 = arith.mulf %get3A_258, %get3A_258 : vector<16xf32>
      %add3A_262 = arith.addf %add3A_234, %mul3A_261 : vector<16xf32>
      %get3A_263 = arith.index_cast %scan3A_194 : i32 to index
      %get3A_264 = arith.constant 112 : index
      %get3A_265 = tpu.vector_load %arg7[%get3A_263, %get3A_264] {strides = array<i32>} : memref<64x256xf32, #tpu.memory_space<vmem>>, vector<16xf32>,
      %mul3A_266 = arith.mulf %get3A_265, %get3A_18 : vector<16xf32>
      %add3A_267 = arith.addf %add3A_239, %mul3A_266 : vector<16xf32>
      %mul3A_268 = arith.mulf %get3A_265, %get3A_265 : vector<16xf32>
      %add3A_269 = arith.addf %add3A_241, %mul3A_268 : vector<16xf32>
      %get3A_270 = arith.index_cast %scan3A_194 : i32 to index
      %get3A_271 = arith.constant 128 : index
      %get3A_272 = tpu.vector_load %arg7[%get3A_270, %get3A_271] {strides = array<i32>} : memref<64x256xf32, #tpu.memory_space<vmem>>, vector<16xf32>,
      %mul3A_273 = arith.mulf %get3A_272, %get3A_20 : vector<16xf32>
      %add3A_274 = arith.addf %add3A_246, %mul3A_273 : vector<16xf32>
      %mul3A_275 = arith.mulf %get3A_272, %get3A_272 : vector<16xf32>
      %add3A_276 = arith.addf %add3A_248, %mul3A_275 : vector<16xf32>
      %get3A_277 = arith.index_cast %scan3A_194 : i32 to index
      %get3A_278 = arith.constant 144 : index
      %get3A_279 = tpu.vector_load %arg7[%get3A_277, %get3A_278] {strides = array<i32>} : memref<64x256xf32, #tpu.memory_space<vmem>>, vector<16xf32>,
      %mul3A_280 = arith.mulf %get3A_279, %get3A_22 : vector<16xf32>
      %add3A_281 = arith.addf %add3A_253, %mul3A_280 : vector<16xf32>
      %mul3A_282 = arith.mulf %get3A_279, %get3A_279 : vector<16xf32>
      %add3A_283 = arith.addf %add3A_255, %mul3A_282 : vector<16xf32>
      %get3A_284 = arith.index_cast %scan3A_194 : i32 to index
      %get3A_285 = arith.constant 160 : index
      %get3A_286 = tpu.vector_load %arg7[%get3A_284, %get3A_285] {strides = array<i32>} : memref<64x256xf32, #tpu.memory_space<vmem>>, vector<16xf32>,
      %mul3A_287 = arith.mulf %get3A_286, %get3A_24 : vector<16xf32>
      %add3A_288 = arith.addf %add3A_260, %mul3A_287 : vector<16xf32>
      %mul3A_289 = arith.mulf %get3A_286, %get3A_286 : vector<16xf32>
      %add3A_290 = arith.addf %add3A_262, %mul3A_289 : vector<16xf32>
      %get3A_291 = arith.index_cast %scan3A_194 : i32 to index
      %get3A_292 = arith.constant 176 : index
      %get3A_293 = tpu.vector_load %arg7[%get3A_291, %get3A_292] {strides = array<i32>} : memref<64x256xf32, #tpu.memory_space<vmem>>, vector<16xf32>,
      %mul3A_294 = arith.mulf %get3A_293, %get3A_26 : vector<16xf32>
      %add3A_295 = arith.addf %add3A_267, %mul3A_294 : vector<16xf32>
      %mul3A_296 = arith.mulf %get3A_293, %get3A_293 : vector<16xf32>
      %add3A_297 = arith.addf %add3A_269, %mul3A_296 : vector<16xf32>
      %get3A_298 = arith.index_cast %scan3A_194 : i32 to index
      %get3A_299 = arith.constant 192 : index
      %get3A_300 = tpu.vector_load %arg7[%get3A_298, %get3A_299] {strides = array<i32>} : memref<64x256xf32, #tpu.memory_space<vmem>>, vector<16xf32>,
      %mul3A_301 = arith.mulf %get3A_300, %get3A_28 : vector<16xf32>
      %add3A_302 = arith.addf %add3A_274, %mul3A_301 : vector<16xf32>
      %mul3A_303 = arith.mulf %get3A_300, %get3A_300 : vector<16xf32>
      %add3A_304 = arith.addf %add3A_276, %mul3A_303 : vector<16xf32>
      %get3A_305 = arith.index_cast %scan3A_194 : i32 to index
      %get3A_306 = arith.constant 208 : index
      %get3A_307 = tpu.vector_load %arg7[%get3A_305, %get3A_306] {strides = array<i32>} : memref<64x256xf32, #tpu.memory_space<vmem>>, vector<16xf32>,
      %mul3A_308 = arith.mulf %get3A_307, %get3A_30 : vector<16xf32>
      %add3A_309 = arith.addf %add3A_281, %mul3A_308 : vector<16xf32>
      %mul3A_310 = arith.mulf %get3A_307, %get3A_307 : vector<16xf32>
      %add3A_311 = arith.addf %add3A_283, %mul3A_310 : vector<16xf32>
      %get3A_312 = arith.index_cast %scan3A_194 : i32 to index
      %get3A_313 = arith.constant 224 : index
      %get3A_314 = tpu.vector_load %arg7[%get3A_312, %get3A_313] {strides = array<i32>} : memref<64x256xf32, #tpu.memory_space<vmem>>, vector<16xf32>,
      %mul3A_315 = arith.mulf %get3A_314, %get3A_32 : vector<16xf32>
      %add3A_316 = arith.addf %add3A_288, %mul3A_315 : vector<16xf32>
      %mul3A_317 = arith.mulf %get3A_314, %get3A_314 : vector<16xf32>
      %add3A_318 = arith.addf %add3A_290, %mul3A_317 : vector<16xf32>
      %get3A_319 = arith.index_cast %scan3A_194 : i32 to index
      %get3A_320 = arith.constant 240 : index
      %get3A_321 = tpu.vector_load %arg7[%get3A_319, %get3A_320] {strides = array<i32>} : memref<64x256xf32, #tpu.memory_space<vmem>>, vector<16xf32>,
      %mul3A_322 = arith.mulf %get3A_321, %get3A_34 : vector<16xf32>
      %add3A_323 = arith.addf %add3A_295, %mul3A_322 : vector<16xf32>
      %mul3A_324 = arith.mulf %get3A_321, %get3A_321 : vector<16xf32>
      %add3A_325 = arith.addf %add3A_297, %mul3A_324 : vector<16xf32>
      %add3A_326 = arith.addf %add3A_302, %add3A_309 : vector<16xf32>
      %add3A_327 = arith.addf %add3A_316, %add3A_323 : vector<16xf32>
      %add3A_328 = arith.addf %add3A_326, %add3A_327 : vector<16xf32>
      %add3A_329 = arith.addf %add3A_304, %add3A_311 : vector<16xf32>
      %add3A_330 = arith.addf %add3A_318, %add3A_325 : vector<16xf32>
      %add3A_331 = arith.addf %add3A_329, %add3A_330 : vector<16xf32>
      %broadcast_in_dim3A_332 = arith.constant true
      %broadcast_in_dim3A_333 = vector.broadcast %broadcast_in_dim3A_332 : i1 to vector<16xi1>
      %masked_cumsum3A_334 = tpu.scan <sum>, %add3A_328 masked %broadcast_in_dim3A_333 : vector<16xf32>, vector<16xi1> -> vector<16xf32>
      %broadcast_in_dim3A_335 = arith.constant true
      %broadcast_in_dim3A_336 = vector.broadcast %broadcast_in_dim3A_335 : i1 to vector<16xi1>
      %masked_cumsum3A_337 = tpu.scan <sum>, %add3A_331 masked %broadcast_in_dim3A_336 : vector<16xf32>, vector<16xi1> -> vector<16xf32>
      %abs3A = math.absf %masked_cumsum3A_334 : vector<16xf32>
      %mul3A_338 = arith.mulf %masked_cumsum3A_334, %abs3A : vector<16xf32>
      %mul3A_339 = arith.mulf %mul3A_338, %scan3A_196 : vector<16xf32>
      %mul3A_340 = arith.mulf %scan3A_195, %masked_cumsum3A_337 : vector<16xf32>
      %gt3A = arith.cmpf ogt, %mul3A_339, %mul3A_340 : vector<16xf32>
      %add3A_341 = arith.addi %add3A_54, %scan3A_194 : i32
      %broadcast_in_dim3A_342 = vector.broadcast %add3A_341 : i32 to vector<16xi32>
      %select_n3A_343 = arith.select %gt3A, %mul3A_338, %scan3A_195 : vector<16xi1>, vector<16xf32>
      %select_n3A_344 = arith.select %gt3A, %masked_cumsum3A_337, %scan3A_196 : vector<16xi1>, vector<16xf32>
      %select_n3A_345 = arith.select %gt3A, %broadcast_in_dim3A_342, %scan3A_197 : vector<16xi1>, vector<16xi32>
      scf.yield %select_n3A_343, %select_n3A_344, %select_n3A_345 : vector<16xf32>, vector<16xf32>, vector<16xi32>
    }
    %scan3A_59 = arith.constant 64 : i32
    %add3A_60 = arith.constant 128 : i32
    %add3A_61 = arith.addi %mul3A_2, %add3A_60 : i32
    %dma_start3A_62 = arith.constant 0 : i32
    %dma_start3A_63 = tpu.memref_slice %arg3[%add3A_61, %dma_start3A_62] : memref<8192x256xf32, #tpu.memory_space<hbm>> -> memref<64x256xf32, #tpu.memory_space<hbm>>
    %dma_start3A_64 = arith.constant 0 : i32
    %dma_start3A_65 = tpu.memref_slice %arg3[%add3A_61, %dma_start3A_64] : memref<8192x256xf32, #tpu.memory_space<hbm>> -> memref<64x256xf32, #tpu.memory_space<hbm>>
    tpu.enqueue_dma source(%dma_start3A_65 : memref<64x256xf32, #tpu.memory_space<hbm>>) target(%arg7 : memref<64x256xf32, #tpu.memory_space<vmem>>) target_semaphore(%arg11 : memref<!tpu.dma_semaphore, #tpu.memory_space<semaphore_mem>>)
    %dma_wait3A_66 = arith.constant 0 : i32
    %dma_wait3A_67 = tpu.memref_slice %arg3[%add3A_45, %dma_wait3A_66] : memref<8192x256xf32, #tpu.memory_space<hbm>> -> memref<64x256xf32, #tpu.memory_space<hbm>>
    %dma_wait3A_68 = arith.constant 0 : i32
    %dma_wait3A_69 = tpu.memref_slice %arg3[%add3A_45, %dma_wait3A_68] : memref<8192x256xf32, #tpu.memory_space<hbm>> -> memref<64x256xf32, #tpu.memory_space<hbm>>
    tpu.wait_dma2 semaphore(%arg12 : memref<!tpu.dma_semaphore, #tpu.memory_space<semaphore_mem>>) src(%dma_wait3A_69 : memref<64x256xf32, #tpu.memory_space<hbm>>) dst(%arg8 : memref<64x256xf32, #tpu.memory_space<vmem>>)
    %add3A_70 = arith.constant 64 : i32
    %add3A_71 = arith.addi %mul3A_2, %add3A_70 : i32
    %scan3A_72 = arith.constant 0 : i32
    %scan3A_73 = arith.constant 64 : i32
    %scan3A_74 = arith.addi %scan3A_72, %scan3A_73 : i32
    %scan3A_75 = arith.constant 1 : i32
    %scan3A_76:3 = scf.for %scan3A_194 = %scan3A_72 to %scan3A_74 step %scan3A_75 iter_args(%scan3A_195 = %scan3A_58#0, %scan3A_196 = %scan3A_58#1, %scan3A_197 = %scan3A_58#2) -> (vector<16xf32>, vector<16xf32>, vector<16xi32>)  : i32 {
      %broadcast_in_dim3A_198 = arith.constant 0.000000e+00 : f32
      %broadcast_in_dim3A_199 = vector.broadcast %broadcast_in_dim3A_198 : f32 to vector<16xf32>
      %broadcast_in_dim3A_200 = arith.constant 0.000000e+00 : f32
      %broadcast_in_dim3A_201 = vector.broadcast %broadcast_in_dim3A_200 : f32 to vector<16xf32>
      %broadcast_in_dim3A_202 = arith.constant 0.000000e+00 : f32
      %broadcast_in_dim3A_203 = vector.broadcast %broadcast_in_dim3A_202 : f32 to vector<16xf32>
      %broadcast_in_dim3A_204 = arith.constant 0.000000e+00 : f32
      %broadcast_in_dim3A_205 = vector.broadcast %broadcast_in_dim3A_204 : f32 to vector<16xf32>
      %broadcast_in_dim3A_206 = arith.constant 0.000000e+00 : f32
      %broadcast_in_dim3A_207 = vector.broadcast %broadcast_in_dim3A_206 : f32 to vector<16xf32>
      %broadcast_in_dim3A_208 = arith.constant 0.000000e+00 : f32
      %broadcast_in_dim3A_209 = vector.broadcast %broadcast_in_dim3A_208 : f32 to vector<16xf32>
      %broadcast_in_dim3A_210 = arith.constant 0.000000e+00 : f32
      %broadcast_in_dim3A_211 = vector.broadcast %broadcast_in_dim3A_210 : f32 to vector<16xf32>
      %broadcast_in_dim3A_212 = arith.constant 0.000000e+00 : f32
      %broadcast_in_dim3A_213 = vector.broadcast %broadcast_in_dim3A_212 : f32 to vector<16xf32>
      %get3A_214 = arith.index_cast %scan3A_194 : i32 to index
      %get3A_215 = arith.constant 0 : index
      %get3A_216 = tpu.vector_load %arg8[%get3A_214, %get3A_215] {strides = array<i32>} : memref<64x256xf32, #tpu.memory_space<vmem>>, vector<16xf32>,
      %mul3A_217 = arith.mulf %get3A_216, %get3A_4 : vector<16xf32>
      %add3A_218 = arith.addf %broadcast_in_dim3A_199, %mul3A_217 : vector<16xf32>
      %mul3A_219 = arith.mulf %get3A_216, %get3A_216 : vector<16xf32>
      %add3A_220 = arith.addf %broadcast_in_dim3A_207, %mul3A_219 : vector<16xf32>
      %get3A_221 = arith.index_cast %scan3A_194 : i32 to index
      %get3A_222 = arith.constant 16 : index
      %get3A_223 = tpu.vector_load %arg8[%get3A_221, %get3A_222] {strides = array<i32>} : memref<64x256xf32, #tpu.memory_space<vmem>>, vector<16xf32>,
      %mul3A_224 = arith.mulf %get3A_223, %get3A_6 : vector<16xf32>
      %add3A_225 = arith.addf %broadcast_in_dim3A_201, %mul3A_224 : vector<16xf32>
      %mul3A_226 = arith.mulf %get3A_223, %get3A_223 : vector<16xf32>
      %add3A_227 = arith.addf %broadcast_in_dim3A_209, %mul3A_226 : vector<16xf32>
      %get3A_228 = arith.index_cast %scan3A_194 : i32 to index
      %get3A_229 = arith.constant 32 : index
      %get3A_230 = tpu.vector_load %arg8[%get3A_228, %get3A_229] {strides = array<i32>} : memref<64x256xf32, #tpu.memory_space<vmem>>, vector<16xf32>,
      %mul3A_231 = arith.mulf %get3A_230, %get3A_8 : vector<16xf32>
      %add3A_232 = arith.addf %broadcast_in_dim3A_203, %mul3A_231 : vector<16xf32>
      %mul3A_233 = arith.mulf %get3A_230, %get3A_230 : vector<16xf32>
      %add3A_234 = arith.addf %broadcast_in_dim3A_211, %mul3A_233 : vector<16xf32>
      %get3A_235 = arith.index_cast %scan3A_194 : i32 to index
      %get3A_236 = arith.constant 48 : index
      %get3A_237 = tpu.vector_load %arg8[%get3A_235, %get3A_236] {strides = array<i32>} : memref<64x256xf32, #tpu.memory_space<vmem>>, vector<16xf32>,
      %mul3A_238 = arith.mulf %get3A_237, %get3A_10 : vector<16xf32>
      %add3A_239 = arith.addf %broadcast_in_dim3A_205, %mul3A_238 : vector<16xf32>
      %mul3A_240 = arith.mulf %get3A_237, %get3A_237 : vector<16xf32>
      %add3A_241 = arith.addf %broadcast_in_dim3A_213, %mul3A_240 : vector<16xf32>
      %get3A_242 = arith.index_cast %scan3A_194 : i32 to index
      %get3A_243 = arith.constant 64 : index
      %get3A_244 = tpu.vector_load %arg8[%get3A_242, %get3A_243] {strides = array<i32>} : memref<64x256xf32, #tpu.memory_space<vmem>>, vector<16xf32>,
      %mul3A_245 = arith.mulf %get3A_244, %get3A_12 : vector<16xf32>
      %add3A_246 = arith.addf %add3A_218, %mul3A_245 : vector<16xf32>
      %mul3A_247 = arith.mulf %get3A_244, %get3A_244 : vector<16xf32>
      %add3A_248 = arith.addf %add3A_220, %mul3A_247 : vector<16xf32>
      %get3A_249 = arith.index_cast %scan3A_194 : i32 to index
      %get3A_250 = arith.constant 80 : index
      %get3A_251 = tpu.vector_load %arg8[%get3A_249, %get3A_250] {strides = array<i32>} : memref<64x256xf32, #tpu.memory_space<vmem>>, vector<16xf32>,
      %mul3A_252 = arith.mulf %get3A_251, %get3A_14 : vector<16xf32>
      %add3A_253 = arith.addf %add3A_225, %mul3A_252 : vector<16xf32>
      %mul3A_254 = arith.mulf %get3A_251, %get3A_251 : vector<16xf32>
      %add3A_255 = arith.addf %add3A_227, %mul3A_254 : vector<16xf32>
      %get3A_256 = arith.index_cast %scan3A_194 : i32 to index
      %get3A_257 = arith.constant 96 : index
      %get3A_258 = tpu.vector_load %arg8[%get3A_256, %get3A_257] {strides = array<i32>} : memref<64x256xf32, #tpu.memory_space<vmem>>, vector<16xf32>,
      %mul3A_259 = arith.mulf %get3A_258, %get3A_16 : vector<16xf32>
      %add3A_260 = arith.addf %add3A_232, %mul3A_259 : vector<16xf32>
      %mul3A_261 = arith.mulf %get3A_258, %get3A_258 : vector<16xf32>
      %add3A_262 = arith.addf %add3A_234, %mul3A_261 : vector<16xf32>
      %get3A_263 = arith.index_cast %scan3A_194 : i32 to index
      %get3A_264 = arith.constant 112 : index
      %get3A_265 = tpu.vector_load %arg8[%get3A_263, %get3A_264] {strides = array<i32>} : memref<64x256xf32, #tpu.memory_space<vmem>>, vector<16xf32>,
      %mul3A_266 = arith.mulf %get3A_265, %get3A_18 : vector<16xf32>
      %add3A_267 = arith.addf %add3A_239, %mul3A_266 : vector<16xf32>
      %mul3A_268 = arith.mulf %get3A_265, %get3A_265 : vector<16xf32>
      %add3A_269 = arith.addf %add3A_241, %mul3A_268 : vector<16xf32>
      %get3A_270 = arith.index_cast %scan3A_194 : i32 to index
      %get3A_271 = arith.constant 128 : index
      %get3A_272 = tpu.vector_load %arg8[%get3A_270, %get3A_271] {strides = array<i32>} : memref<64x256xf32, #tpu.memory_space<vmem>>, vector<16xf32>,
      %mul3A_273 = arith.mulf %get3A_272, %get3A_20 : vector<16xf32>
      %add3A_274 = arith.addf %add3A_246, %mul3A_273 : vector<16xf32>
      %mul3A_275 = arith.mulf %get3A_272, %get3A_272 : vector<16xf32>
      %add3A_276 = arith.addf %add3A_248, %mul3A_275 : vector<16xf32>
      %get3A_277 = arith.index_cast %scan3A_194 : i32 to index
      %get3A_278 = arith.constant 144 : index
      %get3A_279 = tpu.vector_load %arg8[%get3A_277, %get3A_278] {strides = array<i32>} : memref<64x256xf32, #tpu.memory_space<vmem>>, vector<16xf32>,
      %mul3A_280 = arith.mulf %get3A_279, %get3A_22 : vector<16xf32>
      %add3A_281 = arith.addf %add3A_253, %mul3A_280 : vector<16xf32>
      %mul3A_282 = arith.mulf %get3A_279, %get3A_279 : vector<16xf32>
      %add3A_283 = arith.addf %add3A_255, %mul3A_282 : vector<16xf32>
      %get3A_284 = arith.index_cast %scan3A_194 : i32 to index
      %get3A_285 = arith.constant 160 : index
      %get3A_286 = tpu.vector_load %arg8[%get3A_284, %get3A_285] {strides = array<i32>} : memref<64x256xf32, #tpu.memory_space<vmem>>, vector<16xf32>,
      %mul3A_287 = arith.mulf %get3A_286, %get3A_24 : vector<16xf32>
      %add3A_288 = arith.addf %add3A_260, %mul3A_287 : vector<16xf32>
      %mul3A_289 = arith.mulf %get3A_286, %get3A_286 : vector<16xf32>
      %add3A_290 = arith.addf %add3A_262, %mul3A_289 : vector<16xf32>
      %get3A_291 = arith.index_cast %scan3A_194 : i32 to index
      %get3A_292 = arith.constant 176 : index
      %get3A_293 = tpu.vector_load %arg8[%get3A_291, %get3A_292] {strides = array<i32>} : memref<64x256xf32, #tpu.memory_space<vmem>>, vector<16xf32>,
      %mul3A_294 = arith.mulf %get3A_293, %get3A_26 : vector<16xf32>
      %add3A_295 = arith.addf %add3A_267, %mul3A_294 : vector<16xf32>
      %mul3A_296 = arith.mulf %get3A_293, %get3A_293 : vector<16xf32>
      %add3A_297 = arith.addf %add3A_269, %mul3A_296 : vector<16xf32>
      %get3A_298 = arith.index_cast %scan3A_194 : i32 to index
      %get3A_299 = arith.constant 192 : index
      %get3A_300 = tpu.vector_load %arg8[%get3A_298, %get3A_299] {strides = array<i32>} : memref<64x256xf32, #tpu.memory_space<vmem>>, vector<16xf32>,
      %mul3A_301 = arith.mulf %get3A_300, %get3A_28 : vector<16xf32>
      %add3A_302 = arith.addf %add3A_274, %mul3A_301 : vector<16xf32>
      %mul3A_303 = arith.mulf %get3A_300, %get3A_300 : vector<16xf32>
      %add3A_304 = arith.addf %add3A_276, %mul3A_303 : vector<16xf32>
      %get3A_305 = arith.index_cast %scan3A_194 : i32 to index
      %get3A_306 = arith.constant 208 : index
      %get3A_307 = tpu.vector_load %arg8[%get3A_305, %get3A_306] {strides = array<i32>} : memref<64x256xf32, #tpu.memory_space<vmem>>, vector<16xf32>,
      %mul3A_308 = arith.mulf %get3A_307, %get3A_30 : vector<16xf32>
      %add3A_309 = arith.addf %add3A_281, %mul3A_308 : vector<16xf32>
      %mul3A_310 = arith.mulf %get3A_307, %get3A_307 : vector<16xf32>
      %add3A_311 = arith.addf %add3A_283, %mul3A_310 : vector<16xf32>
      %get3A_312 = arith.index_cast %scan3A_194 : i32 to index
      %get3A_313 = arith.constant 224 : index
      %get3A_314 = tpu.vector_load %arg8[%get3A_312, %get3A_313] {strides = array<i32>} : memref<64x256xf32, #tpu.memory_space<vmem>>, vector<16xf32>,
      %mul3A_315 = arith.mulf %get3A_314, %get3A_32 : vector<16xf32>
      %add3A_316 = arith.addf %add3A_288, %mul3A_315 : vector<16xf32>
      %mul3A_317 = arith.mulf %get3A_314, %get3A_314 : vector<16xf32>
      %add3A_318 = arith.addf %add3A_290, %mul3A_317 : vector<16xf32>
      %get3A_319 = arith.index_cast %scan3A_194 : i32 to index
      %get3A_320 = arith.constant 240 : index
      %get3A_321 = tpu.vector_load %arg8[%get3A_319, %get3A_320] {strides = array<i32>} : memref<64x256xf32, #tpu.memory_space<vmem>>, vector<16xf32>,
      %mul3A_322 = arith.mulf %get3A_321, %get3A_34 : vector<16xf32>
      %add3A_323 = arith.addf %add3A_295, %mul3A_322 : vector<16xf32>
      %mul3A_324 = arith.mulf %get3A_321, %get3A_321 : vector<16xf32>
      %add3A_325 = arith.addf %add3A_297, %mul3A_324 : vector<16xf32>
      %add3A_326 = arith.addf %add3A_302, %add3A_309 : vector<16xf32>
      %add3A_327 = arith.addf %add3A_316, %add3A_323 : vector<16xf32>
      %add3A_328 = arith.addf %add3A_326, %add3A_327 : vector<16xf32>
      %add3A_329 = arith.addf %add3A_304, %add3A_311 : vector<16xf32>
      %add3A_330 = arith.addf %add3A_318, %add3A_325 : vector<16xf32>
      %add3A_331 = arith.addf %add3A_329, %add3A_330 : vector<16xf32>
      %broadcast_in_dim3A_332 = arith.constant true
      %broadcast_in_dim3A_333 = vector.broadcast %broadcast_in_dim3A_332 : i1 to vector<16xi1>
      %masked_cumsum3A_334 = tpu.scan <sum>, %add3A_328 masked %broadcast_in_dim3A_333 : vector<16xf32>, vector<16xi1> -> vector<16xf32>
      %broadcast_in_dim3A_335 = arith.constant true
      %broadcast_in_dim3A_336 = vector.broadcast %broadcast_in_dim3A_335 : i1 to vector<16xi1>
      %masked_cumsum3A_337 = tpu.scan <sum>, %add3A_331 masked %broadcast_in_dim3A_336 : vector<16xf32>, vector<16xi1> -> vector<16xf32>
      %abs3A = math.absf %masked_cumsum3A_334 : vector<16xf32>
      %mul3A_338 = arith.mulf %masked_cumsum3A_334, %abs3A : vector<16xf32>
      %mul3A_339 = arith.mulf %mul3A_338, %scan3A_196 : vector<16xf32>
      %mul3A_340 = arith.mulf %scan3A_195, %masked_cumsum3A_337 : vector<16xf32>
      %gt3A = arith.cmpf ogt, %mul3A_339, %mul3A_340 : vector<16xf32>
      %add3A_341 = arith.addi %add3A_71, %scan3A_194 : i32
      %broadcast_in_dim3A_342 = vector.broadcast %add3A_341 : i32 to vector<16xi32>
      %select_n3A_343 = arith.select %gt3A, %mul3A_338, %scan3A_195 : vector<16xi1>, vector<16xf32>
      %select_n3A_344 = arith.select %gt3A, %masked_cumsum3A_337, %scan3A_196 : vector<16xi1>, vector<16xf32>
      %select_n3A_345 = arith.select %gt3A, %broadcast_in_dim3A_342, %scan3A_197 : vector<16xi1>, vector<16xi32>
      scf.yield %select_n3A_343, %select_n3A_344, %select_n3A_345 : vector<16xf32>, vector<16xf32>, vector<16xi32>
    }
    %scan3A_77 = arith.constant 64 : i32
    %add3A_78 = arith.constant 192 : i32
    %add3A_79 = arith.addi %mul3A_2, %add3A_78 : i32
    %dma_start3A_80 = arith.constant 0 : i32
    %dma_start3A_81 = tpu.memref_slice %arg3[%add3A_79, %dma_start3A_80] : memref<8192x256xf32, #tpu.memory_space<hbm>> -> memref<64x256xf32, #tpu.memory_space<hbm>>
    %dma_start3A_82 = arith.constant 0 : i32
    %dma_start3A_83 = tpu.memref_slice %arg3[%add3A_79, %dma_start3A_82] : memref<8192x256xf32, #tpu.memory_space<hbm>> -> memref<64x256xf32, #tpu.memory_space<hbm>>
    tpu.enqueue_dma source(%dma_start3A_83 : memref<64x256xf32, #tpu.memory_space<hbm>>) target(%arg8 : memref<64x256xf32, #tpu.memory_space<vmem>>) target_semaphore(%arg12 : memref<!tpu.dma_semaphore, #tpu.memory_space<semaphore_mem>>)
    %dma_wait3A_84 = arith.constant 0 : i32
    %dma_wait3A_85 = tpu.memref_slice %arg3[%add3A_61, %dma_wait3A_84] : memref<8192x256xf32, #tpu.memory_space<hbm>> -> memref<64x256xf32, #tpu.memory_space<hbm>>
    %dma_wait3A_86 = arith.constant 0 : i32
    %dma_wait3A_87 = tpu.memref_slice %arg3[%add3A_61, %dma_wait3A_86] : memref<8192x256xf32, #tpu.memory_space<hbm>> -> memref<64x256xf32, #tpu.memory_space<hbm>>
    tpu.wait_dma2 semaphore(%arg11 : memref<!tpu.dma_semaphore, #tpu.memory_space<semaphore_mem>>) src(%dma_wait3A_87 : memref<64x256xf32, #tpu.memory_space<hbm>>) dst(%arg7 : memref<64x256xf32, #tpu.memory_space<vmem>>)
    %add3A_88 = arith.constant 128 : i32
    %add3A_89 = arith.addi %mul3A_2, %add3A_88 : i32
    %scan3A_90 = arith.constant 0 : i32
    %scan3A_91 = arith.constant 64 : i32
    %scan3A_92 = arith.addi %scan3A_90, %scan3A_91 : i32
    %scan3A_93 = arith.constant 1 : i32
    %scan3A_94:3 = scf.for %scan3A_194 = %scan3A_90 to %scan3A_92 step %scan3A_93 iter_args(%scan3A_195 = %scan3A_76#0, %scan3A_196 = %scan3A_76#1, %scan3A_197 = %scan3A_76#2) -> (vector<16xf32>, vector<16xf32>, vector<16xi32>)  : i32 {
      %broadcast_in_dim3A_198 = arith.constant 0.000000e+00 : f32
      %broadcast_in_dim3A_199 = vector.broadcast %broadcast_in_dim3A_198 : f32 to vector<16xf32>
      %broadcast_in_dim3A_200 = arith.constant 0.000000e+00 : f32
      %broadcast_in_dim3A_201 = vector.broadcast %broadcast_in_dim3A_200 : f32 to vector<16xf32>
      %broadcast_in_dim3A_202 = arith.constant 0.000000e+00 : f32
      %broadcast_in_dim3A_203 = vector.broadcast %broadcast_in_dim3A_202 : f32 to vector<16xf32>
      %broadcast_in_dim3A_204 = arith.constant 0.000000e+00 : f32
      %broadcast_in_dim3A_205 = vector.broadcast %broadcast_in_dim3A_204 : f32 to vector<16xf32>
      %broadcast_in_dim3A_206 = arith.constant 0.000000e+00 : f32
      %broadcast_in_dim3A_207 = vector.broadcast %broadcast_in_dim3A_206 : f32 to vector<16xf32>
      %broadcast_in_dim3A_208 = arith.constant 0.000000e+00 : f32
      %broadcast_in_dim3A_209 = vector.broadcast %broadcast_in_dim3A_208 : f32 to vector<16xf32>
      %broadcast_in_dim3A_210 = arith.constant 0.000000e+00 : f32
      %broadcast_in_dim3A_211 = vector.broadcast %broadcast_in_dim3A_210 : f32 to vector<16xf32>
      %broadcast_in_dim3A_212 = arith.constant 0.000000e+00 : f32
      %broadcast_in_dim3A_213 = vector.broadcast %broadcast_in_dim3A_212 : f32 to vector<16xf32>
      %get3A_214 = arith.index_cast %scan3A_194 : i32 to index
      %get3A_215 = arith.constant 0 : index
      %get3A_216 = tpu.vector_load %arg7[%get3A_214, %get3A_215] {strides = array<i32>} : memref<64x256xf32, #tpu.memory_space<vmem>>, vector<16xf32>,
      %mul3A_217 = arith.mulf %get3A_216, %get3A_4 : vector<16xf32>
      %add3A_218 = arith.addf %broadcast_in_dim3A_199, %mul3A_217 : vector<16xf32>
      %mul3A_219 = arith.mulf %get3A_216, %get3A_216 : vector<16xf32>
      %add3A_220 = arith.addf %broadcast_in_dim3A_207, %mul3A_219 : vector<16xf32>
      %get3A_221 = arith.index_cast %scan3A_194 : i32 to index
      %get3A_222 = arith.constant 16 : index
      %get3A_223 = tpu.vector_load %arg7[%get3A_221, %get3A_222] {strides = array<i32>} : memref<64x256xf32, #tpu.memory_space<vmem>>, vector<16xf32>,
      %mul3A_224 = arith.mulf %get3A_223, %get3A_6 : vector<16xf32>
      %add3A_225 = arith.addf %broadcast_in_dim3A_201, %mul3A_224 : vector<16xf32>
      %mul3A_226 = arith.mulf %get3A_223, %get3A_223 : vector<16xf32>
      %add3A_227 = arith.addf %broadcast_in_dim3A_209, %mul3A_226 : vector<16xf32>
      %get3A_228 = arith.index_cast %scan3A_194 : i32 to index
      %get3A_229 = arith.constant 32 : index
      %get3A_230 = tpu.vector_load %arg7[%get3A_228, %get3A_229] {strides = array<i32>} : memref<64x256xf32, #tpu.memory_space<vmem>>, vector<16xf32>,
      %mul3A_231 = arith.mulf %get3A_230, %get3A_8 : vector<16xf32>
      %add3A_232 = arith.addf %broadcast_in_dim3A_203, %mul3A_231 : vector<16xf32>
      %mul3A_233 = arith.mulf %get3A_230, %get3A_230 : vector<16xf32>
      %add3A_234 = arith.addf %broadcast_in_dim3A_211, %mul3A_233 : vector<16xf32>
      %get3A_235 = arith.index_cast %scan3A_194 : i32 to index
      %get3A_236 = arith.constant 48 : index
      %get3A_237 = tpu.vector_load %arg7[%get3A_235, %get3A_236] {strides = array<i32>} : memref<64x256xf32, #tpu.memory_space<vmem>>, vector<16xf32>,
      %mul3A_238 = arith.mulf %get3A_237, %get3A_10 : vector<16xf32>
      %add3A_239 = arith.addf %broadcast_in_dim3A_205, %mul3A_238 : vector<16xf32>
      %mul3A_240 = arith.mulf %get3A_237, %get3A_237 : vector<16xf32>
      %add3A_241 = arith.addf %broadcast_in_dim3A_213, %mul3A_240 : vector<16xf32>
      %get3A_242 = arith.index_cast %scan3A_194 : i32 to index
      %get3A_243 = arith.constant 64 : index
      %get3A_244 = tpu.vector_load %arg7[%get3A_242, %get3A_243] {strides = array<i32>} : memref<64x256xf32, #tpu.memory_space<vmem>>, vector<16xf32>,
      %mul3A_245 = arith.mulf %get3A_244, %get3A_12 : vector<16xf32>
      %add3A_246 = arith.addf %add3A_218, %mul3A_245 : vector<16xf32>
      %mul3A_247 = arith.mulf %get3A_244, %get3A_244 : vector<16xf32>
      %add3A_248 = arith.addf %add3A_220, %mul3A_247 : vector<16xf32>
      %get3A_249 = arith.index_cast %scan3A_194 : i32 to index
      %get3A_250 = arith.constant 80 : index
      %get3A_251 = tpu.vector_load %arg7[%get3A_249, %get3A_250] {strides = array<i32>} : memref<64x256xf32, #tpu.memory_space<vmem>>, vector<16xf32>,
      %mul3A_252 = arith.mulf %get3A_251, %get3A_14 : vector<16xf32>
      %add3A_253 = arith.addf %add3A_225, %mul3A_252 : vector<16xf32>
      %mul3A_254 = arith.mulf %get3A_251, %get3A_251 : vector<16xf32>
      %add3A_255 = arith.addf %add3A_227, %mul3A_254 : vector<16xf32>
      %get3A_256 = arith.index_cast %scan3A_194 : i32 to index
      %get3A_257 = arith.constant 96 : index
      %get3A_258 = tpu.vector_load %arg7[%get3A_256, %get3A_257] {strides = array<i32>} : memref<64x256xf32, #tpu.memory_space<vmem>>, vector<16xf32>,
      %mul3A_259 = arith.mulf %get3A_258, %get3A_16 : vector<16xf32>
      %add3A_260 = arith.addf %add3A_232, %mul3A_259 : vector<16xf32>
      %mul3A_261 = arith.mulf %get3A_258, %get3A_258 : vector<16xf32>
      %add3A_262 = arith.addf %add3A_234, %mul3A_261 : vector<16xf32>
      %get3A_263 = arith.index_cast %scan3A_194 : i32 to index
      %get3A_264 = arith.constant 112 : index
      %get3A_265 = tpu.vector_load %arg7[%get3A_263, %get3A_264] {strides = array<i32>} : memref<64x256xf32, #tpu.memory_space<vmem>>, vector<16xf32>,
      %mul3A_266 = arith.mulf %get3A_265, %get3A_18 : vector<16xf32>
      %add3A_267 = arith.addf %add3A_239, %mul3A_266 : vector<16xf32>
      %mul3A_268 = arith.mulf %get3A_265, %get3A_265 : vector<16xf32>
      %add3A_269 = arith.addf %add3A_241, %mul3A_268 : vector<16xf32>
      %get3A_270 = arith.index_cast %scan3A_194 : i32 to index
      %get3A_271 = arith.constant 128 : index
      %get3A_272 = tpu.vector_load %arg7[%get3A_270, %get3A_271] {strides = array<i32>} : memref<64x256xf32, #tpu.memory_space<vmem>>, vector<16xf32>,
      %mul3A_273 = arith.mulf %get3A_272, %get3A_20 : vector<16xf32>
      %add3A_274 = arith.addf %add3A_246, %mul3A_273 : vector<16xf32>
      %mul3A_275 = arith.mulf %get3A_272, %get3A_272 : vector<16xf32>
      %add3A_276 = arith.addf %add3A_248, %mul3A_275 : vector<16xf32>
      %get3A_277 = arith.index_cast %scan3A_194 : i32 to index
      %get3A_278 = arith.constant 144 : index
      %get3A_279 = tpu.vector_load %arg7[%get3A_277, %get3A_278] {strides = array<i32>} : memref<64x256xf32, #tpu.memory_space<vmem>>, vector<16xf32>,
      %mul3A_280 = arith.mulf %get3A_279, %get3A_22 : vector<16xf32>
      %add3A_281 = arith.addf %add3A_253, %mul3A_280 : vector<16xf32>
      %mul3A_282 = arith.mulf %get3A_279, %get3A_279 : vector<16xf32>
      %add3A_283 = arith.addf %add3A_255, %mul3A_282 : vector<16xf32>
      %get3A_284 = arith.index_cast %scan3A_194 : i32 to index
      %get3A_285 = arith.constant 160 : index
      %get3A_286 = tpu.vector_load %arg7[%get3A_284, %get3A_285] {strides = array<i32>} : memref<64x256xf32, #tpu.memory_space<vmem>>, vector<16xf32>,
      %mul3A_287 = arith.mulf %get3A_286, %get3A_24 : vector<16xf32>
      %add3A_288 = arith.addf %add3A_260, %mul3A_287 : vector<16xf32>
      %mul3A_289 = arith.mulf %get3A_286, %get3A_286 : vector<16xf32>
      %add3A_290 = arith.addf %add3A_262, %mul3A_289 : vector<16xf32>
      %get3A_291 = arith.index_cast %scan3A_194 : i32 to index
      %get3A_292 = arith.constant 176 : index
      %get3A_293 = tpu.vector_load %arg7[%get3A_291, %get3A_292] {strides = array<i32>} : memref<64x256xf32, #tpu.memory_space<vmem>>, vector<16xf32>,
      %mul3A_294 = arith.mulf %get3A_293, %get3A_26 : vector<16xf32>
      %add3A_295 = arith.addf %add3A_267, %mul3A_294 : vector<16xf32>
      %mul3A_296 = arith.mulf %get3A_293, %get3A_293 : vector<16xf32>
      %add3A_297 = arith.addf %add3A_269, %mul3A_296 : vector<16xf32>
      %get3A_298 = arith.index_cast %scan3A_194 : i32 to index
      %get3A_299 = arith.constant 192 : index
      %get3A_300 = tpu.vector_load %arg7[%get3A_298, %get3A_299] {strides = array<i32>} : memref<64x256xf32, #tpu.memory_space<vmem>>, vector<16xf32>,
      %mul3A_301 = arith.mulf %get3A_300, %get3A_28 : vector<16xf32>
      %add3A_302 = arith.addf %add3A_274, %mul3A_301 : vector<16xf32>
      %mul3A_303 = arith.mulf %get3A_300, %get3A_300 : vector<16xf32>
      %add3A_304 = arith.addf %add3A_276, %mul3A_303 : vector<16xf32>
      %get3A_305 = arith.index_cast %scan3A_194 : i32 to index
      %get3A_306 = arith.constant 208 : index
      %get3A_307 = tpu.vector_load %arg7[%get3A_305, %get3A_306] {strides = array<i32>} : memref<64x256xf32, #tpu.memory_space<vmem>>, vector<16xf32>,
      %mul3A_308 = arith.mulf %get3A_307, %get3A_30 : vector<16xf32>
      %add3A_309 = arith.addf %add3A_281, %mul3A_308 : vector<16xf32>
      %mul3A_310 = arith.mulf %get3A_307, %get3A_307 : vector<16xf32>
      %add3A_311 = arith.addf %add3A_283, %mul3A_310 : vector<16xf32>
      %get3A_312 = arith.index_cast %scan3A_194 : i32 to index
      %get3A_313 = arith.constant 224 : index
      %get3A_314 = tpu.vector_load %arg7[%get3A_312, %get3A_313] {strides = array<i32>} : memref<64x256xf32, #tpu.memory_space<vmem>>, vector<16xf32>,
      %mul3A_315 = arith.mulf %get3A_314, %get3A_32 : vector<16xf32>
      %add3A_316 = arith.addf %add3A_288, %mul3A_315 : vector<16xf32>
      %mul3A_317 = arith.mulf %get3A_314, %get3A_314 : vector<16xf32>
      %add3A_318 = arith.addf %add3A_290, %mul3A_317 : vector<16xf32>
      %get3A_319 = arith.index_cast %scan3A_194 : i32 to index
      %get3A_320 = arith.constant 240 : index
      %get3A_321 = tpu.vector_load %arg7[%get3A_319, %get3A_320] {strides = array<i32>} : memref<64x256xf32, #tpu.memory_space<vmem>>, vector<16xf32>,
      %mul3A_322 = arith.mulf %get3A_321, %get3A_34 : vector<16xf32>
      %add3A_323 = arith.addf %add3A_295, %mul3A_322 : vector<16xf32>
      %mul3A_324 = arith.mulf %get3A_321, %get3A_321 : vector<16xf32>
      %add3A_325 = arith.addf %add3A_297, %mul3A_324 : vector<16xf32>
      %add3A_326 = arith.addf %add3A_302, %add3A_309 : vector<16xf32>
      %add3A_327 = arith.addf %add3A_316, %add3A_323 : vector<16xf32>
      %add3A_328 = arith.addf %add3A_326, %add3A_327 : vector<16xf32>
      %add3A_329 = arith.addf %add3A_304, %add3A_311 : vector<16xf32>
      %add3A_330 = arith.addf %add3A_318, %add3A_325 : vector<16xf32>
      %add3A_331 = arith.addf %add3A_329, %add3A_330 : vector<16xf32>
      %broadcast_in_dim3A_332 = arith.constant true
      %broadcast_in_dim3A_333 = vector.broadcast %broadcast_in_dim3A_332 : i1 to vector<16xi1>
      %masked_cumsum3A_334 = tpu.scan <sum>, %add3A_328 masked %broadcast_in_dim3A_333 : vector<16xf32>, vector<16xi1> -> vector<16xf32>
      %broadcast_in_dim3A_335 = arith.constant true
      %broadcast_in_dim3A_336 = vector.broadcast %broadcast_in_dim3A_335 : i1 to vector<16xi1>
      %masked_cumsum3A_337 = tpu.scan <sum>, %add3A_331 masked %broadcast_in_dim3A_336 : vector<16xf32>, vector<16xi1> -> vector<16xf32>
      %abs3A = math.absf %masked_cumsum3A_334 : vector<16xf32>
      %mul3A_338 = arith.mulf %masked_cumsum3A_334, %abs3A : vector<16xf32>
      %mul3A_339 = arith.mulf %mul3A_338, %scan3A_196 : vector<16xf32>
      %mul3A_340 = arith.mulf %scan3A_195, %masked_cumsum3A_337 : vector<16xf32>
      %gt3A = arith.cmpf ogt, %mul3A_339, %mul3A_340 : vector<16xf32>
      %add3A_341 = arith.addi %add3A_89, %scan3A_194 : i32
      %broadcast_in_dim3A_342 = vector.broadcast %add3A_341 : i32 to vector<16xi32>
      %select_n3A_343 = arith.select %gt3A, %mul3A_338, %scan3A_195 : vector<16xi1>, vector<16xf32>
      %select_n3A_344 = arith.select %gt3A, %masked_cumsum3A_337, %scan3A_196 : vector<16xi1>, vector<16xf32>
      %select_n3A_345 = arith.select %gt3A, %broadcast_in_dim3A_342, %scan3A_197 : vector<16xi1>, vector<16xi32>
      scf.yield %select_n3A_343, %select_n3A_344, %select_n3A_345 : vector<16xf32>, vector<16xf32>, vector<16xi32>
    }
    %scan3A_95 = arith.constant 64 : i32
    %dma_wait3A_96 = arith.constant 0 : i32
    %dma_wait3A_97 = tpu.memref_slice %arg3[%add3A_79, %dma_wait3A_96] : memref<8192x256xf32, #tpu.memory_space<hbm>> -> memref<64x256xf32, #tpu.memory_space<hbm>>
    %dma_wait3A_98 = arith.constant 0 : i32
    %dma_wait3A_99 = tpu.memref_slice %arg3[%add3A_79, %dma_wait3A_98] : memref<8192x256xf32, #tpu.memory_space<hbm>> -> memref<64x256xf32, #tpu.memory_space<hbm>>
    tpu.wait_dma2 semaphore(%arg12 : memref<!tpu.dma_semaphore, #tpu.memory_space<semaphore_mem>>) src(%dma_wait3A_99 : memref<64x256xf32, #tpu.memory_space<hbm>>) dst(%arg8 : memref<64x256xf32, #tpu.memory_space<vmem>>)
    %add3A_100 = arith.constant 192 : i32
    %add3A_101 = arith.addi %mul3A_2, %add3A_100 : i32
    %scan3A_102 = arith.constant 0 : i32
    %scan3A_103 = arith.constant 64 : i32
    %scan3A_104 = arith.addi %scan3A_102, %scan3A_103 : i32
    %scan3A_105 = arith.constant 1 : i32
    %scan3A_106:3 = scf.for %scan3A_194 = %scan3A_102 to %scan3A_104 step %scan3A_105 iter_args(%scan3A_195 = %scan3A_94#0, %scan3A_196 = %scan3A_94#1, %scan3A_197 = %scan3A_94#2) -> (vector<16xf32>, vector<16xf32>, vector<16xi32>)  : i32 {
      %broadcast_in_dim3A_198 = arith.constant 0.000000e+00 : f32
      %broadcast_in_dim3A_199 = vector.broadcast %broadcast_in_dim3A_198 : f32 to vector<16xf32>
      %broadcast_in_dim3A_200 = arith.constant 0.000000e+00 : f32
      %broadcast_in_dim3A_201 = vector.broadcast %broadcast_in_dim3A_200 : f32 to vector<16xf32>
      %broadcast_in_dim3A_202 = arith.constant 0.000000e+00 : f32
      %broadcast_in_dim3A_203 = vector.broadcast %broadcast_in_dim3A_202 : f32 to vector<16xf32>
      %broadcast_in_dim3A_204 = arith.constant 0.000000e+00 : f32
      %broadcast_in_dim3A_205 = vector.broadcast %broadcast_in_dim3A_204 : f32 to vector<16xf32>
      %broadcast_in_dim3A_206 = arith.constant 0.000000e+00 : f32
      %broadcast_in_dim3A_207 = vector.broadcast %broadcast_in_dim3A_206 : f32 to vector<16xf32>
      %broadcast_in_dim3A_208 = arith.constant 0.000000e+00 : f32
      %broadcast_in_dim3A_209 = vector.broadcast %broadcast_in_dim3A_208 : f32 to vector<16xf32>
      %broadcast_in_dim3A_210 = arith.constant 0.000000e+00 : f32
      %broadcast_in_dim3A_211 = vector.broadcast %broadcast_in_dim3A_210 : f32 to vector<16xf32>
      %broadcast_in_dim3A_212 = arith.constant 0.000000e+00 : f32
      %broadcast_in_dim3A_213 = vector.broadcast %broadcast_in_dim3A_212 : f32 to vector<16xf32>
      %get3A_214 = arith.index_cast %scan3A_194 : i32 to index
      %get3A_215 = arith.constant 0 : index
      %get3A_216 = tpu.vector_load %arg8[%get3A_214, %get3A_215] {strides = array<i32>} : memref<64x256xf32, #tpu.memory_space<vmem>>, vector<16xf32>,
      %mul3A_217 = arith.mulf %get3A_216, %get3A_4 : vector<16xf32>
      %add3A_218 = arith.addf %broadcast_in_dim3A_199, %mul3A_217 : vector<16xf32>
      %mul3A_219 = arith.mulf %get3A_216, %get3A_216 : vector<16xf32>
      %add3A_220 = arith.addf %broadcast_in_dim3A_207, %mul3A_219 : vector<16xf32>
      %get3A_221 = arith.index_cast %scan3A_194 : i32 to index
      %get3A_222 = arith.constant 16 : index
      %get3A_223 = tpu.vector_load %arg8[%get3A_221, %get3A_222] {strides = array<i32>} : memref<64x256xf32, #tpu.memory_space<vmem>>, vector<16xf32>,
      %mul3A_224 = arith.mulf %get3A_223, %get3A_6 : vector<16xf32>
      %add3A_225 = arith.addf %broadcast_in_dim3A_201, %mul3A_224 : vector<16xf32>
      %mul3A_226 = arith.mulf %get3A_223, %get3A_223 : vector<16xf32>
      %add3A_227 = arith.addf %broadcast_in_dim3A_209, %mul3A_226 : vector<16xf32>
      %get3A_228 = arith.index_cast %scan3A_194 : i32 to index
      %get3A_229 = arith.constant 32 : index
      %get3A_230 = tpu.vector_load %arg8[%get3A_228, %get3A_229] {strides = array<i32>} : memref<64x256xf32, #tpu.memory_space<vmem>>, vector<16xf32>,
      %mul3A_231 = arith.mulf %get3A_230, %get3A_8 : vector<16xf32>
      %add3A_232 = arith.addf %broadcast_in_dim3A_203, %mul3A_231 : vector<16xf32>
      %mul3A_233 = arith.mulf %get3A_230, %get3A_230 : vector<16xf32>
      %add3A_234 = arith.addf %broadcast_in_dim3A_211, %mul3A_233 : vector<16xf32>
      %get3A_235 = arith.index_cast %scan3A_194 : i32 to index
      %get3A_236 = arith.constant 48 : index
      %get3A_237 = tpu.vector_load %arg8[%get3A_235, %get3A_236] {strides = array<i32>} : memref<64x256xf32, #tpu.memory_space<vmem>>, vector<16xf32>,
      %mul3A_238 = arith.mulf %get3A_237, %get3A_10 : vector<16xf32>
      %add3A_239 = arith.addf %broadcast_in_dim3A_205, %mul3A_238 : vector<16xf32>
      %mul3A_240 = arith.mulf %get3A_237, %get3A_237 : vector<16xf32>
      %add3A_241 = arith.addf %broadcast_in_dim3A_213, %mul3A_240 : vector<16xf32>
      %get3A_242 = arith.index_cast %scan3A_194 : i32 to index
      %get3A_243 = arith.constant 64 : index
      %get3A_244 = tpu.vector_load %arg8[%get3A_242, %get3A_243] {strides = array<i32>} : memref<64x256xf32, #tpu.memory_space<vmem>>, vector<16xf32>,
      %mul3A_245 = arith.mulf %get3A_244, %get3A_12 : vector<16xf32>
      %add3A_246 = arith.addf %add3A_218, %mul3A_245 : vector<16xf32>
      %mul3A_247 = arith.mulf %get3A_244, %get3A_244 : vector<16xf32>
      %add3A_248 = arith.addf %add3A_220, %mul3A_247 : vector<16xf32>
      %get3A_249 = arith.index_cast %scan3A_194 : i32 to index
      %get3A_250 = arith.constant 80 : index
      %get3A_251 = tpu.vector_load %arg8[%get3A_249, %get3A_250] {strides = array<i32>} : memref<64x256xf32, #tpu.memory_space<vmem>>, vector<16xf32>,
      %mul3A_252 = arith.mulf %get3A_251, %get3A_14 : vector<16xf32>
      %add3A_253 = arith.addf %add3A_225, %mul3A_252 : vector<16xf32>
      %mul3A_254 = arith.mulf %get3A_251, %get3A_251 : vector<16xf32>
      %add3A_255 = arith.addf %add3A_227, %mul3A_254 : vector<16xf32>
      %get3A_256 = arith.index_cast %scan3A_194 : i32 to index
      %get3A_257 = arith.constant 96 : index
      %get3A_258 = tpu.vector_load %arg8[%get3A_256, %get3A_257] {strides = array<i32>} : memref<64x256xf32, #tpu.memory_space<vmem>>, vector<16xf32>,
      %mul3A_259 = arith.mulf %get3A_258, %get3A_16 : vector<16xf32>
      %add3A_260 = arith.addf %add3A_232, %mul3A_259 : vector<16xf32>
      %mul3A_261 = arith.mulf %get3A_258, %get3A_258 : vector<16xf32>
      %add3A_262 = arith.addf %add3A_234, %mul3A_261 : vector<16xf32>
      %get3A_263 = arith.index_cast %scan3A_194 : i32 to index
      %get3A_264 = arith.constant 112 : index
      %get3A_265 = tpu.vector_load %arg8[%get3A_263, %get3A_264] {strides = array<i32>} : memref<64x256xf32, #tpu.memory_space<vmem>>, vector<16xf32>,
      %mul3A_266 = arith.mulf %get3A_265, %get3A_18 : vector<16xf32>
      %add3A_267 = arith.addf %add3A_239, %mul3A_266 : vector<16xf32>
      %mul3A_268 = arith.mulf %get3A_265, %get3A_265 : vector<16xf32>
      %add3A_269 = arith.addf %add3A_241, %mul3A_268 : vector<16xf32>
      %get3A_270 = arith.index_cast %scan3A_194 : i32 to index
      %get3A_271 = arith.constant 128 : index
      %get3A_272 = tpu.vector_load %arg8[%get3A_270, %get3A_271] {strides = array<i32>} : memref<64x256xf32, #tpu.memory_space<vmem>>, vector<16xf32>,
      %mul3A_273 = arith.mulf %get3A_272, %get3A_20 : vector<16xf32>
      %add3A_274 = arith.addf %add3A_246, %mul3A_273 : vector<16xf32>
      %mul3A_275 = arith.mulf %get3A_272, %get3A_272 : vector<16xf32>
      %add3A_276 = arith.addf %add3A_248, %mul3A_275 : vector<16xf32>
      %get3A_277 = arith.index_cast %scan3A_194 : i32 to index
      %get3A_278 = arith.constant 144 : index
      %get3A_279 = tpu.vector_load %arg8[%get3A_277, %get3A_278] {strides = array<i32>} : memref<64x256xf32, #tpu.memory_space<vmem>>, vector<16xf32>,
      %mul3A_280 = arith.mulf %get3A_279, %get3A_22 : vector<16xf32>
      %add3A_281 = arith.addf %add3A_253, %mul3A_280 : vector<16xf32>
      %mul3A_282 = arith.mulf %get3A_279, %get3A_279 : vector<16xf32>
      %add3A_283 = arith.addf %add3A_255, %mul3A_282 : vector<16xf32>
      %get3A_284 = arith.index_cast %scan3A_194 : i32 to index
      %get3A_285 = arith.constant 160 : index
      %get3A_286 = tpu.vector_load %arg8[%get3A_284, %get3A_285] {strides = array<i32>} : memref<64x256xf32, #tpu.memory_space<vmem>>, vector<16xf32>,
      %mul3A_287 = arith.mulf %get3A_286, %get3A_24 : vector<16xf32>
      %add3A_288 = arith.addf %add3A_260, %mul3A_287 : vector<16xf32>
      %mul3A_289 = arith.mulf %get3A_286, %get3A_286 : vector<16xf32>
      %add3A_290 = arith.addf %add3A_262, %mul3A_289 : vector<16xf32>
      %get3A_291 = arith.index_cast %scan3A_194 : i32 to index
      %get3A_292 = arith.constant 176 : index
      %get3A_293 = tpu.vector_load %arg8[%get3A_291, %get3A_292] {strides = array<i32>} : memref<64x256xf32, #tpu.memory_space<vmem>>, vector<16xf32>,
      %mul3A_294 = arith.mulf %get3A_293, %get3A_26 : vector<16xf32>
      %add3A_295 = arith.addf %add3A_267, %mul3A_294 : vector<16xf32>
      %mul3A_296 = arith.mulf %get3A_293, %get3A_293 : vector<16xf32>
      %add3A_297 = arith.addf %add3A_269, %mul3A_296 : vector<16xf32>
      %get3A_298 = arith.index_cast %scan3A_194 : i32 to index
      %get3A_299 = arith.constant 192 : index
      %get3A_300 = tpu.vector_load %arg8[%get3A_298, %get3A_299] {strides = array<i32>} : memref<64x256xf32, #tpu.memory_space<vmem>>, vector<16xf32>,
      %mul3A_301 = arith.mulf %get3A_300, %get3A_28 : vector<16xf32>
      %add3A_302 = arith.addf %add3A_274, %mul3A_301 : vector<16xf32>
      %mul3A_303 = arith.mulf %get3A_300, %get3A_300 : vector<16xf32>
      %add3A_304 = arith.addf %add3A_276, %mul3A_303 : vector<16xf32>
      %get3A_305 = arith.index_cast %scan3A_194 : i32 to index
      %get3A_306 = arith.constant 208 : index
      %get3A_307 = tpu.vector_load %arg8[%get3A_305, %get3A_306] {strides = array<i32>} : memref<64x256xf32, #tpu.memory_space<vmem>>, vector<16xf32>,
      %mul3A_308 = arith.mulf %get3A_307, %get3A_30 : vector<16xf32>
      %add3A_309 = arith.addf %add3A_281, %mul3A_308 : vector<16xf32>
      %mul3A_310 = arith.mulf %get3A_307, %get3A_307 : vector<16xf32>
      %add3A_311 = arith.addf %add3A_283, %mul3A_310 : vector<16xf32>
      %get3A_312 = arith.index_cast %scan3A_194 : i32 to index
      %get3A_313 = arith.constant 224 : index
      %get3A_314 = tpu.vector_load %arg8[%get3A_312, %get3A_313] {strides = array<i32>} : memref<64x256xf32, #tpu.memory_space<vmem>>, vector<16xf32>,
      %mul3A_315 = arith.mulf %get3A_314, %get3A_32 : vector<16xf32>
      %add3A_316 = arith.addf %add3A_288, %mul3A_315 : vector<16xf32>
      %mul3A_317 = arith.mulf %get3A_314, %get3A_314 : vector<16xf32>
      %add3A_318 = arith.addf %add3A_290, %mul3A_317 : vector<16xf32>
      %get3A_319 = arith.index_cast %scan3A_194 : i32 to index
      %get3A_320 = arith.constant 240 : index
      %get3A_321 = tpu.vector_load %arg8[%get3A_319, %get3A_320] {strides = array<i32>} : memref<64x256xf32, #tpu.memory_space<vmem>>, vector<16xf32>,
      %mul3A_322 = arith.mulf %get3A_321, %get3A_34 : vector<16xf32>
      %add3A_323 = arith.addf %add3A_295, %mul3A_322 : vector<16xf32>
      %mul3A_324 = arith.mulf %get3A_321, %get3A_321 : vector<16xf32>
      %add3A_325 = arith.addf %add3A_297, %mul3A_324 : vector<16xf32>
      %add3A_326 = arith.addf %add3A_302, %add3A_309 : vector<16xf32>
      %add3A_327 = arith.addf %add3A_316, %add3A_323 : vector<16xf32>
      %add3A_328 = arith.addf %add3A_326, %add3A_327 : vector<16xf32>
      %add3A_329 = arith.addf %add3A_304, %add3A_311 : vector<16xf32>
      %add3A_330 = arith.addf %add3A_318, %add3A_325 : vector<16xf32>
      %add3A_331 = arith.addf %add3A_329, %add3A_330 : vector<16xf32>
      %broadcast_in_dim3A_332 = arith.constant true
      %broadcast_in_dim3A_333 = vector.broadcast %broadcast_in_dim3A_332 : i1 to vector<16xi1>
      %masked_cumsum3A_334 = tpu.scan <sum>, %add3A_328 masked %broadcast_in_dim3A_333 : vector<16xf32>, vector<16xi1> -> vector<16xf32>
      %broadcast_in_dim3A_335 = arith.constant true
      %broadcast_in_dim3A_336 = vector.broadcast %broadcast_in_dim3A_335 : i1 to vector<16xi1>
      %masked_cumsum3A_337 = tpu.scan <sum>, %add3A_331 masked %broadcast_in_dim3A_336 : vector<16xf32>, vector<16xi1> -> vector<16xf32>
      %abs3A = math.absf %masked_cumsum3A_334 : vector<16xf32>
      %mul3A_338 = arith.mulf %masked_cumsum3A_334, %abs3A : vector<16xf32>
      %mul3A_339 = arith.mulf %mul3A_338, %scan3A_196 : vector<16xf32>
      %mul3A_340 = arith.mulf %scan3A_195, %masked_cumsum3A_337 : vector<16xf32>
      %gt3A = arith.cmpf ogt, %mul3A_339, %mul3A_340 : vector<16xf32>
      %add3A_341 = arith.addi %add3A_101, %scan3A_194 : i32
      %broadcast_in_dim3A_342 = vector.broadcast %add3A_341 : i32 to vector<16xi32>
      %select_n3A_343 = arith.select %gt3A, %mul3A_338, %scan3A_195 : vector<16xi1>, vector<16xf32>
      %select_n3A_344 = arith.select %gt3A, %masked_cumsum3A_337, %scan3A_196 : vector<16xi1>, vector<16xf32>
      %select_n3A_345 = arith.select %gt3A, %broadcast_in_dim3A_342, %scan3A_197 : vector<16xi1>, vector<16xi32>
      scf.yield %select_n3A_343, %select_n3A_344, %select_n3A_345 : vector<16xf32>, vector<16xf32>, vector<16xi32>
    }
    %scan3A_107 = arith.constant 64 : i32
    %broadcast_in_dim3A_108 = arith.constant 0.000000e+00 : f32
    %broadcast_in_dim3A_109 = vector.broadcast %broadcast_in_dim3A_108 : f32 to vector<16xf32>
    %mul3A_110 = arith.mulf %get3A_4, %get3A_4 : vector<16xf32>
    %add3A_111 = arith.addf %broadcast_in_dim3A_109, %mul3A_110 : vector<16xf32>
    %mul3A_112 = arith.mulf %get3A_6, %get3A_6 : vector<16xf32>
    %add3A_113 = arith.addf %add3A_111, %mul3A_112 : vector<16xf32>
    %mul3A_114 = arith.mulf %get3A_8, %get3A_8 : vector<16xf32>
    %add3A_115 = arith.addf %add3A_113, %mul3A_114 : vector<16xf32>
    %mul3A_116 = arith.mulf %get3A_10, %get3A_10 : vector<16xf32>
    %add3A_117 = arith.addf %add3A_115, %mul3A_116 : vector<16xf32>
    %mul3A_118 = arith.mulf %get3A_12, %get3A_12 : vector<16xf32>
    %add3A_119 = arith.addf %add3A_117, %mul3A_118 : vector<16xf32>
    %mul3A_120 = arith.mulf %get3A_14, %get3A_14 : vector<16xf32>
    %add3A_121 = arith.addf %add3A_119, %mul3A_120 : vector<16xf32>
    %mul3A_122 = arith.mulf %get3A_16, %get3A_16 : vector<16xf32>
    %add3A_123 = arith.addf %add3A_121, %mul3A_122 : vector<16xf32>
    %mul3A_124 = arith.mulf %get3A_18, %get3A_18 : vector<16xf32>
    %add3A_125 = arith.addf %add3A_123, %mul3A_124 : vector<16xf32>
    %mul3A_126 = arith.mulf %get3A_20, %get3A_20 : vector<16xf32>
    %add3A_127 = arith.addf %add3A_125, %mul3A_126 : vector<16xf32>
    %mul3A_128 = arith.mulf %get3A_22, %get3A_22 : vector<16xf32>
    %add3A_129 = arith.addf %add3A_127, %mul3A_128 : vector<16xf32>
    %mul3A_130 = arith.mulf %get3A_24, %get3A_24 : vector<16xf32>
    %add3A_131 = arith.addf %add3A_129, %mul3A_130 : vector<16xf32>
    %mul3A_132 = arith.mulf %get3A_26, %get3A_26 : vector<16xf32>
    %add3A_133 = arith.addf %add3A_131, %mul3A_132 : vector<16xf32>
    %mul3A_134 = arith.mulf %get3A_28, %get3A_28 : vector<16xf32>
    %add3A_135 = arith.addf %add3A_133, %mul3A_134 : vector<16xf32>
    %mul3A_136 = arith.mulf %get3A_30, %get3A_30 : vector<16xf32>
    %add3A_137 = arith.addf %add3A_135, %mul3A_136 : vector<16xf32>
    %mul3A_138 = arith.mulf %get3A_32, %get3A_32 : vector<16xf32>
    %add3A_139 = arith.addf %add3A_137, %mul3A_138 : vector<16xf32>
    %mul3A_140 = arith.mulf %get3A_34, %get3A_34 : vector<16xf32>
    %add3A_141 = arith.addf %add3A_139, %mul3A_140 : vector<16xf32>
    %broadcast_in_dim3A_142 = arith.constant true
    %broadcast_in_dim3A_143 = vector.broadcast %broadcast_in_dim3A_142 : i1 to vector<16xi1>
    %masked_cumsum3A = tpu.scan <sum>, %add3A_141 masked %broadcast_in_dim3A_143 : vector<16xf32>, vector<16xi1> -> vector<16xf32>
    %lt3A = arith.constant 0 : i32
    %lt3A_144 = vector.broadcast %lt3A : i32 to vector<16xi32>
    %lt3A_145 = arith.cmpi slt, %broadcast_in_dim3A_3, %lt3A_144 : vector<16xi32>
    %add3A_146 = arith.constant 16 : i32
    %add3A_147 = vector.broadcast %add3A_146 : i32 to vector<16xi32>
    %add3A_148 = arith.addi %broadcast_in_dim3A_3, %add3A_147 : vector<16xi32>
    %select_n3A = arith.select %lt3A_145, %add3A_148, %broadcast_in_dim3A_3 : vector<16xi1>, vector<16xi32>
    %broadcast_in_dim3A_149 = vector.shape_cast %select_n3A : vector<16xi32> to vector<16x1xi32>
    %gather3A = vector.shape_cast %broadcast_in_dim3A_149 : vector<16x1xi32> to vector<16xi32>
    %gather3A_150 = tpu.dynamic_gather %masked_cumsum3A[%gather3A] in [0] : vector<16xf32>, vector<16xi32> -> vector<16xf32>
    %max3A = arith.constant 1.000000e-24 : f32
    %max3A_151 = vector.broadcast %max3A : f32 to vector<16xf32>
    %max3A_152 = arith.maximumf %gather3A_150, %max3A_151 : vector<16xf32>
    %lt3A_153 = arith.constant 0 : i32
    %lt3A_154 = vector.broadcast %lt3A_153 : i32 to vector<16xi32>
    %lt3A_155 = arith.cmpi slt, %broadcast_in_dim3A_3, %lt3A_154 : vector<16xi32>
    %add3A_156 = arith.constant 16 : i32
    %add3A_157 = vector.broadcast %add3A_156 : i32 to vector<16xi32>
    %add3A_158 = arith.addi %broadcast_in_dim3A_3, %add3A_157 : vector<16xi32>
    %select_n3A_159 = arith.select %lt3A_155, %add3A_158, %broadcast_in_dim3A_3 : vector<16xi1>, vector<16xi32>
    %broadcast_in_dim3A_160 = vector.shape_cast %select_n3A_159 : vector<16xi32> to vector<16x1xi32>
    %gather3A_161 = vector.shape_cast %broadcast_in_dim3A_160 : vector<16x1xi32> to vector<16xi32>
    %gather3A_162 = tpu.dynamic_gather %scan3A_106#0[%gather3A_161] in [0] : vector<16xf32>, vector<16xi32> -> vector<16xf32>
    %lt3A_163 = arith.constant 0 : i32
    %lt3A_164 = vector.broadcast %lt3A_163 : i32 to vector<16xi32>
    %lt3A_165 = arith.cmpi slt, %broadcast_in_dim3A_3, %lt3A_164 : vector<16xi32>
    %add3A_166 = arith.constant 16 : i32
    %add3A_167 = vector.broadcast %add3A_166 : i32 to vector<16xi32>
    %add3A_168 = arith.addi %broadcast_in_dim3A_3, %add3A_167 : vector<16xi32>
    %select_n3A_169 = arith.select %lt3A_165, %add3A_168, %broadcast_in_dim3A_3 : vector<16xi1>, vector<16xi32>
    %broadcast_in_dim3A_170 = vector.shape_cast %select_n3A_169 : vector<16xi32> to vector<16x1xi32>
    %gather3A_171 = vector.shape_cast %broadcast_in_dim3A_170 : vector<16x1xi32> to vector<16xi32>
    %gather3A_172 = tpu.dynamic_gather %scan3A_106#1[%gather3A_171] in [0] : vector<16xf32>, vector<16xi32> -> vector<16xf32>
    %max3A_173 = arith.constant 1.000000e-24 : f32
    %max3A_174 = vector.broadcast %max3A_173 : f32 to vector<16xf32>
    %max3A_175 = arith.maximumf %gather3A_172, %max3A_174 : vector<16xf32>
    %mul3A_176 = arith.mulf %max3A_175, %max3A_152 : vector<16xf32>
    %div3A = arith.divf %gather3A_162, %mul3A_176 : vector<16xf32>
    %jit3A = arith.constant 0.000000e+00 : f32
    %jit3A_177 = arith.constant 1.000000e+00 : f32
    %max3A_178 = vector.broadcast %jit3A : f32 to vector<16xf32>
    %max3A_179 = arith.maximumf %max3A_178, %div3A : vector<16xf32>
    %min3A = vector.broadcast %jit3A_177 : f32 to vector<16xf32>
    %min3A_180 = arith.minimumf %min3A, %max3A_179 : vector<16xf32>
    %swap3A = arith.constant 0 : index
    %swap3A_181 = tpu.vector_load %arg9[%swap3A] {strides = array<i32>} : memref<16xf32, #tpu.memory_space<vmem>>, vector<16xf32>,
    tpu.vector_store %arg9[%swap3A], %min3A_180 {strides = array<i32>} : memref<16xf32, #tpu.memory_space<vmem>>, vector<16xf32>,
    %lt3A_182 = arith.constant 0 : i32
    %lt3A_183 = vector.broadcast %lt3A_182 : i32 to vector<16xi32>
    %lt3A_184 = arith.cmpi slt, %broadcast_in_dim3A_3, %lt3A_183 : vector<16xi32>
    %add3A_185 = arith.constant 16 : i32
    %add3A_186 = vector.broadcast %add3A_185 : i32 to vector<16xi32>
    %add3A_187 = arith.addi %broadcast_in_dim3A_3, %add3A_186 : vector<16xi32>
    %select_n3A_188 = arith.select %lt3A_184, %add3A_187, %broadcast_in_dim3A_3 : vector<16xi1>, vector<16xi32>
    %broadcast_in_dim3A_189 = vector.shape_cast %select_n3A_188 : vector<16xi32> to vector<16x1xi32>
    %gather3A_190 = vector.shape_cast %broadcast_in_dim3A_189 : vector<16x1xi32> to vector<16xi32>
    %gather3A_191 = tpu.dynamic_gather %scan3A_106#2[%gather3A_190] in [0] : vector<16xi32>, vector<16xi32> -> vector<16xi32>
    %swap3A_192 = arith.constant 0 : index
    %swap3A_193 = tpu.vector_load %arg10[%swap3A_192] {strides = array<i32>} : memref<16xi32, #tpu.memory_space<vmem>>, vector<16xi32>,
    tpu.vector_store %arg10[%swap3A_192], %gather3A_191 {strides = array<i32>} : memref<16xi32, #tpu.memory_space<vmem>>, vector<16xi32>,
    "tpu.region"() ({
      %run_scoped3A = tpu.sem_alloc : memref<!tpu.dma_semaphore, #tpu.memory_space<semaphore_mem>>
      %dma_start3A_194 = arith.constant 0 : i32
      %dma_start3A_195 = tpu.memref_slice %arg4[%add3A, %dma_start3A_194] : memref<32x16xf32, #tpu.memory_space<hbm>> -> memref<1x16xf32, #tpu.memory_space<hbm>>
      %dma_start3A_196 = tpu.memref_squeeze %dma_start3A_195 : memref<1x16xf32, #tpu.memory_space<hbm>> -> memref<16xf32, #tpu.memory_space<hbm>>
      %dma_start3A_197 = arith.constant 0 : i32
      %dma_start3A_198 = tpu.memref_slice %arg4[%add3A, %dma_start3A_197] : memref<32x16xf32, #tpu.memory_space<hbm>> -> memref<1x16xf32, #tpu.memory_space<hbm>>
      %dma_start3A_199 = tpu.memref_squeeze %dma_start3A_198 : memref<1x16xf32, #tpu.memory_space<hbm>> -> memref<16xf32, #tpu.memory_space<hbm>>
      tpu.enqueue_dma source(%arg9 : memref<16xf32, #tpu.memory_space<vmem>>) target(%dma_start3A_199 : memref<16xf32, #tpu.memory_space<hbm>>) target_semaphore(%run_scoped3A : memref<!tpu.dma_semaphore, #tpu.memory_space<semaphore_mem>>)
      %dma_wait3A_200 = arith.constant 0 : i32
      %dma_wait3A_201 = tpu.memref_slice %arg4[%add3A, %dma_wait3A_200] : memref<32x16xf32, #tpu.memory_space<hbm>> -> memref<1x16xf32, #tpu.memory_space<hbm>>
      %dma_wait3A_202 = tpu.memref_squeeze %dma_wait3A_201 : memref<1x16xf32, #tpu.memory_space<hbm>> -> memref<16xf32, #tpu.memory_space<hbm>>
      %dma_wait3A_203 = arith.constant 0 : i32
      %dma_wait3A_204 = tpu.memref_slice %arg4[%add3A, %dma_wait3A_203] : memref<32x16xf32, #tpu.memory_space<hbm>> -> memref<1x16xf32, #tpu.memory_space<hbm>>
      %dma_wait3A_205 = tpu.memref_squeeze %dma_wait3A_204 : memref<1x16xf32, #tpu.memory_space<hbm>> -> memref<16xf32, #tpu.memory_space<hbm>>
      tpu.wait_dma2 semaphore(%run_scoped3A : memref<!tpu.dma_semaphore, #tpu.memory_space<semaphore_mem>>) src(%arg9 : memref<16xf32, #tpu.memory_space<vmem>>) dst(%dma_wait3A_205 : memref<16xf32, #tpu.memory_space<hbm>>)
      tpu.yield
    }) : () -> ()
    "tpu.region"() ({
      %run_scoped3A = tpu.sem_alloc : memref<!tpu.dma_semaphore, #tpu.memory_space<semaphore_mem>>
      %dma_start3A_194 = arith.constant 0 : i32
      %dma_start3A_195 = tpu.memref_slice %arg5[%add3A, %dma_start3A_194] : memref<32x16xi32, #tpu.memory_space<hbm>> -> memref<1x16xi32, #tpu.memory_space<hbm>>
      %dma_start3A_196 = tpu.memref_squeeze %dma_start3A_195 : memref<1x16xi32, #tpu.memory_space<hbm>> -> memref<16xi32, #tpu.memory_space<hbm>>
      %dma_start3A_197 = arith.constant 0 : i32
      %dma_start3A_198 = tpu.memref_slice %arg5[%add3A, %dma_start3A_197] : memref<32x16xi32, #tpu.memory_space<hbm>> -> memref<1x16xi32, #tpu.memory_space<hbm>>
      %dma_start3A_199 = tpu.memref_squeeze %dma_start3A_198 : memref<1x16xi32, #tpu.memory_space<hbm>> -> memref<16xi32, #tpu.memory_space<hbm>>
      tpu.enqueue_dma source(%arg10 : memref<16xi32, #tpu.memory_space<vmem>>) target(%dma_start3A_199 : memref<16xi32, #tpu.memory_space<hbm>>) target_semaphore(%run_scoped3A : memref<!tpu.dma_semaphore, #tpu.memory_space<semaphore_mem>>)
      %dma_wait3A_200 = arith.constant 0 : i32
      %dma_wait3A_201 = tpu.memref_slice %arg5[%add3A, %dma_wait3A_200] : memref<32x16xi32, #tpu.memory_space<hbm>> -> memref<1x16xi32, #tpu.memory_space<hbm>>
      %dma_wait3A_202 = tpu.memref_squeeze %dma_wait3A_201 : memref<1x16xi32, #tpu.memory_space<hbm>> -> memref<16xi32, #tpu.memory_space<hbm>>
      %dma_wait3A_203 = arith.constant 0 : i32
      %dma_wait3A_204 = tpu.memref_slice %arg5[%add3A, %dma_wait3A_203] : memref<32x16xi32, #tpu.memory_space<hbm>> -> memref<1x16xi32, #tpu.memory_space<hbm>>
      %dma_wait3A_205 = tpu.memref_squeeze %dma_wait3A_204 : memref<1x16xi32, #tpu.memory_space<hbm>> -> memref<16xi32, #tpu.memory_space<hbm>>
      tpu.wait_dma2 semaphore(%run_scoped3A : memref<!tpu.dma_semaphore, #tpu.memory_space<semaphore_mem>>) src(%arg10 : memref<16xi32, #tpu.memory_space<vmem>>) dst(%dma_wait3A_205 : memref<16xi32, #tpu.memory_space<hbm>>)
      tpu.yield
    }) : () -> ()
    return
  }
}

module attributes {stable_mosaic.version = 14 : i64} {
  func.func @_merge_body(%arg0: memref<32x16xf32, #tpu.memory_space<vmem>>, %arg1: memref<32x16xi32, #tpu.memory_space<vmem>>, %arg2: memref<1x1xf32, #tpu.memory_space<smem>>, %arg3: memref<1x1xi32, #tpu.memory_space<smem>>) attributes {dimension_semantics = [], scalar_prefetch = 0 : i64, scratch_operands = 0 : i64, tpu.core_type = #tpu.core_type<tc>} {
    %get3A = arith.constant 0 : index
    %get3A_0 = arith.constant 0 : index
    %get3A_1 = vector.load %arg0[%get3A, %get3A_0] : memref<32x16xf32, #tpu.memory_space<vmem>>, vector<32x16xf32>
    %get3A_2 = arith.constant 0 : index
    %get3A_3 = arith.constant 0 : index
    %get3A_4 = vector.load %arg1[%get3A_2, %get3A_3] : memref<32x16xi32, #tpu.memory_space<vmem>>, vector<32x16xi32>
    %reduce_max3A = vector.shape_cast %get3A_1 : vector<32x16xf32> to vector<1x32x16xf32>
    %reduce_max3A_5 = arith.constant dense<0xFF800000> : vector<1xf32>
    %reduce_max3A_6 = vector.multi_reduction <maximumf>, %reduce_max3A, %reduce_max3A_5 [1, 2] : vector<1x32x16xf32> to vector<1xf32>
    %reduce_max3A_7 = vector.shape_cast %reduce_max3A_6 : vector<1xf32> to vector<1x1x1xf32>
    %reduce_max3A_8 = vector.extract %reduce_max3A_7[0, 0, 0] : f32 from vector<1x1x1xf32>
    %eq3A = vector.broadcast %reduce_max3A_8 : f32 to vector<32x16xf32>
    %eq3A_9 = arith.cmpf oeq, %get3A_1, %eq3A : vector<32x16xf32>
    %jit3A = arith.constant 2147483647 : i32
    %broadcast_in_dim3A = vector.broadcast %jit3A : i32 to vector<32x16xi32>
    %select_n3A = arith.select %eq3A_9, %get3A_4, %broadcast_in_dim3A : vector<32x16xi1>, vector<32x16xi32>
    %sqrt3A = math.sqrt %reduce_max3A_8 : f32
    %sub3A = arith.constant 1.000000e+00 : f32
    %sub3A_10 = arith.subf %sub3A, %sqrt3A : f32
    %max3A = arith.constant 0.000000e+00 : f32
    %max3A_11 = arith.maximumf %sub3A_10, %max3A : f32
    %sqrt3A_12 = math.sqrt %max3A_11 : f32
    %min3A = arith.constant 1.000000e+00 : f32
    %min3A_13 = arith.minimumf %sqrt3A_12, %min3A : f32
    %swap3A = arith.constant 0 : index
    %swap3A_14 = arith.constant 0 : index
    %swap3A_15 = memref.load %arg2[%swap3A, %swap3A_14] : memref<1x1xf32, #tpu.memory_space<smem>>
    memref.store %min3A_13, %arg2[%swap3A, %swap3A_14] : memref<1x1xf32, #tpu.memory_space<smem>>
    %le3A = arith.constant 0.000000e+00 : f32
    %le3A_16 = arith.cmpf ole, %reduce_max3A_8, %le3A : f32
    %reduce_min3A = vector.shape_cast %select_n3A : vector<32x16xi32> to vector<1x32x16xi32>
    %reduce_min3A_17 = arith.constant dense<2147483647> : vector<1xi32>
    %reduce_min3A_18 = vector.multi_reduction <minsi>, %reduce_min3A, %reduce_min3A_17 [1, 2] : vector<1x32x16xi32> to vector<1xi32>
    %reduce_min3A_19 = vector.shape_cast %reduce_min3A_18 : vector<1xi32> to vector<1x1x1xi32>
    %reduce_min3A_20 = vector.extract %reduce_min3A_19[0, 0, 0] : i32 from vector<1x1x1xi32>
    %jit3A_21 = arith.constant 0 : i32
    %select_n3A_22 = arith.select %le3A_16, %jit3A_21, %reduce_min3A_20 : i32
    %swap3A_23 = arith.constant 0 : index
    %swap3A_24 = arith.constant 0 : index
    %swap3A_25 = memref.load %arg3[%swap3A_23, %swap3A_24] : memref<1x1xi32, #tpu.memory_space<smem>>
    memref.store %select_n3A_22, %arg3[%swap3A_23, %swap3A_24] : memref<1x1xi32, #tpu.memory_space<smem>>
    return
  }
}

</mosaic_0001>

<sc_bundles>
// kernel: kernel.4.cloned.1.call-start
scs
__scs_entry_jumppad:
0x0: {  	(pc) =	sbr.rel $0x88, $3  }
0x1: {  	(tag) =	ssettag $0x0;
	lr =	simm.s32 $0x1  }
0x2: {  	[smem:$0x3F9F] =	sst lr;
	_ =	strace $0xD0000000  }
0x3: {  	_ = 	snop  }
0x4: {  	_ = 	snop  }
0x5: {  	_ = 	snop  }
0x6: {  	_ = 	snop  }
0x7: {  	_ = 	snop  }
__scs_overlays_trampoline_lowered:
0x8: {  	[smem:$0x3FAE] =	sst s0  }
0x9: {  	[smem:$0x3FAF] =	sst s1  }
0xa: {  	[smem:$0x3FB0] =	sst s2  }
0xb: {  	[smem:$0x3FB1] =	sst s3  }
0xc: {  	[smem:$0x3FB2] =	sst s4  }
0xd: {  	[smem:$0x3FB3] =	sst s5  }
0xe: {  	[smem:$0x3FB4] =	sst s6  }
0xf: {  	[smem:$0x3FB5] =	sst s7  }
0x10: {  	[smem:$0x3FB6] =	sst s8  }
0x11: {  	[smem:$0x3FB7] =	sst s9;
	s0 =	simm.s32 @!p0 $0x0  }
0x12: {  	s1 =	sld [smem:$0x3F9D];
	s0 =	simm.s32 @p0 $0x1  }
0x13: {  	[smem:$0x3FB8] =	sst s0;
	s0 =	simm.s32 @!p1 $0x0  }
0x14: {  	s2 =	sld [smem:$0x3F9C];
	s0 =	simm.s32 @p1 $0x1  }
0x15: {  	[smem:$0x3FB9] =	sst s0;
	s0 =	simm.s32 @!p2 $0x0  }
0x16: {  	s3 =	sld [smem:$0x3FDB];
	s0 =	simm.s32 @p2 $0x1  }
0x17: {  	s4 =	simm.s32 $0x1BF5;
	[smem:$0x3FBB] =	sst s0  }
0x18: {  	s0 =	sld [smem:$0x3F9E];
	_ =	swait.ge [sflag:s4], $0x0  }
0x19: {  	s7 =	sld [smem:$0x3F9F]  }
0x1a: {  	s8 =	sadd.s32 $0xFFFFE003, lr  }
0x1b: {  	s9 =	sadd.s32 $0xFFFFFEF7, lr;
	s5 =	simm.s32 $0xFFFFFFFF;
	p2 =	slt.u32 s8, $0xFFFFF086  }
0x1c: {  	p1 =	slt.u32 s9, $0xF7A;
	s5 =	simm.s32 @!p2 $0x0  }
0x1d: {  	s5 =	simm.s32 @p1 $0x1;
	p0 =	seq.s32 s7, s2  }
0x1e: {  	s7 =	smul.u32 @!p0 $0xF7A, s2;
	p2 =	seq.s32 @!p0 s5, $0x0  }
0x1f: {  	s9 =	smul.u32 $0xF7A, s1;
	s8 =	simm.s32 @!p0 $0x1BF5;
	p2 =	por !p2, p0  }
0x20: {  	[sflag:s8] =	ssyncset.s32 @!p0 $0xFFFFF086;
	s6 =	sadd.s32 @!p0 s3, s7;
	s7 =	simm.s32 @!p0 $0x108  }
0x21: {  	s3 =	sadd.s32 s3, s9;
	s6 =	sadd.s32 @!p0 $0x88, s6;
	s7 =	simm.s32 @p2 $0x1082  }
0x22: {  	[simem:s7], [sflag:s8] =	dma.local @!p0 [hbm:s6], $0xF7A  }
0x23: {  	s9 =	sor.u32 $0xD0000000, s2;
	s6 =	simm.s32 $0x108;
	_ =	swait.ge @!p0 [sflag:s8], $0x0  }
0x24: {  	s3 =	sadd.s32 $0x88, s3;
	s6 =	simm.s32 @!p1 $0x1082;
	[sflag:s4] =	ssyncset.s32 $0xFFFFF086  }
0x25: {  	[simem:s6], [sflag:s4] =	dma.local [hbm:s3], $0xF7A  }
0x26: {  	[smem:$0x3F9F] =	sst s1;
	(tag) =	ssettag s2;
	_ =	strace s9  }
0x27: {  	s1 =	sld [smem:$0x3FAF]  }
0x28: {  	s2 =	sld [smem:$0x3FB0]  }
0x29: {  	s4 =	sld [smem:$0x3FB2]  }
0x2a: {  	p0 =	seq.s32 s5, $0x0;
	s5 =	sld [smem:$0x3FB3]  }
0x2b: {  	s6 =	sld [smem:$0x3FB4]  }
0x2c: {  	s7 =	sld [smem:$0x3FB5]  }
0x2d: {  	s3 =	simm.s32 $0x108;
	s8 =	sld [smem:$0x3FB6]  }
0x2e: {  	s3 =	simm.s32 @!p0 $0x1082;
	s9 =	sld [smem:$0x3FB7]  }
0x2f: {  	lr =	sadd.s32 s0, s3;
	s0 =	sld [smem:$0x3FAE]  }
0x30: {  	s3 =	sld [smem:$0x3FB1]  }
0x31: {  	[smem:$0x3FBA] =	sst s10  }
0x32: {  	s10 =	sld [smem:$0x3FB8];
	_ =	sdelay $0x3  }
0x33: {  	p0 =	seq.s32 s10, $0x1;
	s10 =	sld [smem:$0x3FBA];
	_ =	sdelay $0x3  }
0x34: {  	[smem:$0x3FBA] =	sst s10  }
0x35: {  	s10 =	sld [smem:$0x3FB9];
	_ =	sdelay $0x3  }
0x36: {  	p1 =	seq.s32 s10, $0x1;
	s10 =	sld [smem:$0x3FBA];
	_ =	sdelay $0x3  }
0x37: {  	[smem:$0x3FBA] =	sst s10  }
0x38: {  	s10 =	sld [smem:$0x3FBB]  }
0x39: {  	_ = 	snop;
	(pc) =	sbr.ind lr, $3  }
0x3a: {  	_ = 	snop  }
0x3b: {  	_ = 	snop  }
0x3c: {  	p2 =	seq.s32 s10, $0x1;
	s10 =	sld [smem:$0x3FBA]  }
0x3d: {  	_ =	shalt  }
0x3e: {  	_ =	shalt  }
0x3f: {  	_ =	shalt  }
0x40: {  	_ =	shalt  }
0x41: {  	_ =	shalt  }
0x42: {  	_ =	shalt  }
0x43: {  	_ =	shalt  }
0x44: {  	_ =	shalt  }
0x45: {  	_ =	shalt  }
0x46: {  	_ =	shalt  }
0x47: {  	_ =	shalt  }
0x48: {  	_ =	shalt  }
0x49: {  	_ =	shalt  }
0x4a: {  	_ =	shalt  }
0x4b: {  	_ =	shalt  }
0x4c: {  	_ =	shalt  }
0x4d: {  	_ =	shalt  }
0x4e: {  	_ =	shalt  }
0x4f: {  	_ =	shalt  }
0x50: {  	_ =	shalt  }
0x51: {  	_ =	shalt  }
0x52: {  	_ =	shalt  }
0x53: {  	_ =	shalt  }
0x54: {  	_ =	shalt  }
0x55: {  	_ =	shalt  }
0x56: {  	_ =	shalt  }
0x57: {  	_ =	shalt  }
0x58: {  	_ =	shalt  }
0x59: {  	_ =	shalt  }
0x5a: {  	_ =	shalt  }
0x5b: {  	_ =	shalt  }
0x5c: {  	_ =	shalt  }
0x5d: {  	_ =	shalt  }
0x5e: {  	_ =	shalt  }
0x5f: {  	_ =	shalt  }
0x60: {  	_ =	shalt  }
0x61: {  	_ =	shalt  }
0x62: {  	_ =	shalt  }
0x63: {  	_ =	shalt  }
0x64: {  	_ =	shalt  }
0x65: {  	_ =	shalt  }
0x66: {  	_ =	shalt  }
0x67: {  	_ =	shalt  }
0x68: {  	_ =	shalt  }
0x69: {  	_ =	shalt  }
0x6a: {  	_ =	shalt  }
0x6b: {  	_ =	shalt  }
0x6c: {  	_ =	shalt  }
0x6d: {  	_ =	shalt  }
0x6e: {  	_ =	shalt  }
0x6f: {  	_ =	shalt  }
0x70: {  	_ =	shalt  }
0x71: {  	_ =	shalt  }
0x72: {  	_ =	shalt  }
0x73: {  	_ =	shalt  }
0x74: {  	_ =	shalt  }
0x75: {  	_ =	shalt  }
0x76: {  	_ =	shalt  }
0x77: {  	_ =	shalt  }
0x78: {  	_ =	shalt  }
0x79: {  	_ =	shalt  }
0x7a: {  	_ =	shalt  }
0x7b: {  	_ =	shalt  }
0x7c: {  	_ =	shalt  }
0x7d: {  	_ =	shalt  }
0x7e: {  	_ =	shalt  }
0x7f: {  	_ =	shalt  }
0x80: {  	_ =	shalt  }
0x81: {  	_ =	shalt  }
0x82: {  	_ =	shalt  }
0x83: {  	_ =	shalt  }
0x84: {  	_ =	shalt  }
0x85: {  	_ =	shalt  }
0x86: {  	_ =	shalt  }
0x87: {  	_ =	shalt  }
.Lfunc_end0:
.L_simem_size_0:
called_computation_lowered:
.L_overlay_start_0:
0x88: {  	s2 =	sld [smem:$0x3FD9]  }
0x89: {  	s3 =	sld [smem:$0x3FFE];
	_ =	sdelay $0x1  }
0x8a: {  	s1 =	srdreg.scid  }
0x8b: {  	s0 =	sand.u32 $0x1, s1  }
0x8c: {  	s17 =	sshll.u32 s0, $0xA;
	s2 =	sadd.s32 s3, s2  }
0x8d: {  	s2 =	sadd.s32 s2, s17  }
0x8e: {  	[smem:$0x3FC6] =	sst s2  }
0x8f: {  	_ = 	snop  }
0x90: {  	s2 =	sld [smem:$0x3FC9]  }
0x91: {  	s18 =	sld [smem:$0x3FC8];
	(tm) =	ssettm $0x1  }
0x92: {  	s4 =	sld [smem:$0x3FFB];
	_ =	sdelay $0x3  }
0x93: {  	_ =	strace s4  }
0x94: {  	s4 =	sld [smem:$0x3FFC];
	_ =	sdelay $0x3  }
0x95: {  	_ =	strace s4  }
0x96: {  	s4 =	sld [smem:$0x3FFD];
	_ =	sdelay $0x3  }
0x97: {  	_ =	strace s4  }
0x98: {  	_ =	strace $0x8FFFFFFF  }
0x99: {  	s19 =	sld [smem:$0x3FDB];
	_ =	sdelay $0x1  }
0x9a: {  	s5 =	simm.s32 $_scs_section_size  }
0x9b: {  	s6 =	simm.s32 $_size__tile_overlayer_lowered;
	s7 =	simm.s32 $_tile_overlayer_lowered  }
0x9c: {  	s22 =	simm.s32 $0x1BFF;
	s21 =	sshll.u32 s7, $0x1;
	s4 =	sadd.s32 s5, s19  }
0x9d: {  	s8 =	simm.s32 $0x0;
	s20 =	sshll.u32 s6, $0x1;
	s6 =	sadd.s32 s21, s4  }
0x9e: {  	[timem:s8], [sflag:s22] =	dma.local [hbm:s6], s20  }
0x9f: {  	_ =	swait.ge [sflag:s22], s20  }
0xa0: {  	s5 =	ssub.s32 $0x0, s20;
	[sflag:s22] =	ssyncset.done $0x0  }
0xa1: {  	[sflag:s22] =	ssyncadd.s32 s5;
	_ =	sdelay $0x1  }
0xa2: {  	s23 =	simm.s32 $0x1B8B  }
0xa3: {  	_ =	swait.ge [sflag:s23], $0x1  }
0xa4: {  	[sflag:s23] =	ssyncset.done $0x0  }
0xa5: {  	s25 =	simm.s32 $0x1B8E;
	s24 =	sld [smem:$0x3FFE];
	[sflag:s23] =	ssyncadd.s32 $0xFFFFFFFF  }
0xa6: {  	s26 =	simm.s32 $execute0_lowered;
	[smem:$0x3FD2] =	sst s25  }
0xa7: {  	s6 =	sshll.u32 s26, $0x1;
	_ =	strace $0x80000046;
	[dreg:$0x1] =	wrdreg $0xFFFFFFFF  }
0xa8: {  	s28 =	simm.s32 $_size_execute0_lowered;
	s4 =	sadd.s32 s4, s6;
	[dreg:$0x0] =	wrdreg $0x0  }
0xa9: {  	s6 =	sshll.u32 s28, $0x1;
	[dreg:$0x2] =	wrdreg s4  }
0xaa: {  	[dreg:$0x3] =	wrdreg s6  }
0xab: {  	[dreg:$0x4] =	wrdreg $0xC0  }
0xac: {  	_ =	task [dreg:s8], $0x5FFFF  }
0xad: {  	[dreg:$0x1] =	wrdreg $0xFFFFFFFF  }
0xae: {  	[dreg:$0x0] =	wrdreg $0x60  }
0xaf: {  	[dreg:$0x2] =	wrdreg s2  }
0xb0: {  	[dreg:$0x3] =	wrdreg s18  }
0xb1: {  	[dreg:$0x4] =	wrdreg s24  }
0xb2: {  	[dreg:$0x5] =	wrdreg $0x9  }
0xb3: {  	_ =	task.clear_ibuf [dreg:s8], $0x6FFFF;
	_ =	strace $0x90000046  }
0xb4: {  	s29 =	simm.s32 $0x9;
	_ =	strace $0x80000048  }
0xb5: {  	_ =	swait.ge [sflag:s29], $0x1  }
0xb6: {  	[sflag:s29] =	ssyncadd.s32 $0xFFFFFFFF  }
0xb7: {  	_ =	strace $0x90000048  }
0xb8: {  	_ =	sfence  }
0xb9: {  	s30 =	sld [smem:$0x0];
	_ =	sdelay $0x2  }
0xba: {  	s31 =	sshll.u32 s1, $0xD;
	s1 =	sshrl.u32 s1, $0x2  }
0xbb: {  	s3 =	sand.u32 $0x4000, s31;
	s1 =	sadd.s32 s1, s30  }
0xbc: {  	s0 =	sor.u32 s3, s0;
	s1 =	sshll.u32 s1, $0x11  }
0xbd: {  	s0 =	sor.u32 s1, s0  }
0xbe: {  	s0 =	sadd.s32 $0x8F2B, s0  }
0xbf: {  	[sflag:s0] =	ssyncadd.remote.s32 $0x1  }
0xc0: {  	_ =	sfence.sel $0xFFFF  }
0xc1: {  	[dreg:$0x0] =	wrdreg $0xFFFFFFFF;
	(pc) =	sbr.abs _section_cstart, $3  }
0xc2: {  	[dreg:$0x1] =	wrdreg $0xFFFFFFFF  }
0xc3: {  	_ =	task.clear_ibuf [dreg:s8], $0x2FFFF;
	_ =	strace $0x9FFFFFFF  }
0xc4: {  	(tm) =	ssettm $0x7FFFFFFF  }
0xc5: {  	_ =	shalt  }
tec
execute0_lowered:
.L_overlay_start_1:
0x0: {  	(tag) =	ssettag $0x1  }
0x1: {  	s0 =	rddreg [dreg:$0x0]  }
0x2: {  	s4 =	rddreg [dreg:$0x1]  }
0x3: {  	s1 =	srdreg.scid;
	s5 =	rddreg [dreg:$0x2]  }
0x4: {  	s2 =	stileid.u32;
	s3 =	simm.s32 $0x0;
	s15 =	simm.s32 $0x3  }
0x5: {  	s16 =	simm.s32 $0x100;
	s17 =	simm.s32 $0x4100;
	s18 =	simm.s32 $0x1  }
0x6: {  	s19 =	simm.s32 $0x2;
	s20 =	simm.s32 $0x8100;
	s21 =	simm.s32 $0x8180  }
0x7: {  	s22 =	simm.s32 $0x0;
	s8 =	sand.u32 $0x1, s1;
	s1 =	rddreg [dreg:$0x3]  }
0x8: {  	[smem:$0x7FF] =	sst s3;
	s9 =	sshll.u32 s2, $0x4;
	s13 =	sshll.u32 s2, $0x8  }
0x9: {  	s6 =	sshll.u32 s8, $0x4;
	_ =	strace $0x80000047;
	s9 =	sand.u32 $0x70, s9  }
0xa: {  	s30 =	ssub.s32 $0x2, s8;
	s12 =	sshll.u32 s8, $0xC;
	s6 =	sor.u32 s2, s6  }
0xb: {  	s31 =	sshrl.u32 s30, $0x1;
	s7 =	sshll.u32 s6, $0x4;
	s6 =	sshll.u32 s6, $0xD  }
0xc: {  	s11 =	ssub.s32 s30, s31;
	s7 =	sand.u32 $0x180, s7;
	s4 =	sadd.s32 s4, s6  }
0xd: {  	s11 =	smax.u32 s11, $0x1;
	s7 =	sor.u32 s9, s7;
	s6 =	sadd.s32 $0x1000, s4  }
0xe: {  	s10 =	sadd.s32 s7, s5;
	s5 =	sadd.s32 $0x800, s4;
	s7 =	sadd.s32 $0x1800, s4  }
0xf: {  	s8 =	sadd.s32 $0xE00, s10;
	s9 =	sadd.s32 $0x1000, s10;
	s10 =	sor.u32 s13, s12  }
0x10: {  	v0 =	vimm.s32 $0xF;
	s12 =	sor.u32 $0x40, s10;
	s13 =	sor.u32 $0x80, s10;
	s14 =	sor.u32 $0xC0, s10  }
.LBB2_1:
0x11: {  	[tilespmem:s3], [sflag:$0x3] =	stream.linear.gather [hbm4b:s0+s3], $0x100, $0x38;
	[tilespmem:$0x8200] =	vst v63  }
0x12: {  	_ =	swait.ge [sflag:s15], $0x100  }
0x13: {  	[sflag:s15] =	ssyncset.done $0x0  }
0x14: {  	[sflag:s15] =	ssyncadd.s32 $0xFFFFFF00  }
0x15: {  	v15 =	vld [tilespmem:$0x0]  }
0x16: {  	v16 =	vld [tilespmem:$0x10]  }
0x17: {  	v14 =	vld [tilespmem:$0x20]  }
0x18: {  	v13 =	vld [tilespmem:$0x30]  }
0x19: {  	v12 =	vld [tilespmem:$0x40]  }
0x1a: {  	v11 =	vld [tilespmem:$0x50]  }
0x1b: {  	v10 =	vld [tilespmem:$0x60]  }
0x1c: {  	v9 =	vld [tilespmem:$0x70]  }
0x1d: {  	v8 =	vld [tilespmem:$0x80]  }
0x1e: {  	v7 =	vld [tilespmem:$0x90]  }
0x1f: {  	v6 =	vld [tilespmem:$0xA0]  }
0x20: {  	v5 =	vld [tilespmem:$0xB0]  }
0x21: {  	v4 =	vld [tilespmem:$0xC0]  }
0x22: {  	v3 =	vld [tilespmem:$0xD0]  }
0x23: {  	v2 =	vld [tilespmem:$0xE0]  }
0x24: {  	v1 =	vld [tilespmem:$0xF0];
	[tilespmem:s16], [sflag:$0x1] =	stream.linear.gather [hbm4b:s4+s3], $0x4000, $0x38  }
0x25: {  	_ = 	snop  }
0x26: {  	[tilespmem:s17], [sflag:$0x2] =	stream.linear.gather [hbm4b:s5+s3], $0x4000, $0x38;
	[tilespmem:$0x8200] =	vst v63  }
0x27: {  	_ =	swait.ge [sflag:s18], $0x4000  }
0x28: {  	s23 =	sand.u32 $0x3800, s3;
	s24 =	sand.u32 $0x380, s3;
	[sflag:s18] =	ssyncset.done $0x0  }
0x29: {  	s23 =	sor.u32 s24, s23;
	[sflag:s18] =	ssyncadd.s32 $0xFFFFC000  }
0x2a: {  	v24 =	vld [tilespmem:s23+$0x550]  }
0x2b: {  	v21 =	vld [tilespmem:s23+$0x510]  }
0x2c: {  	v26 =	vld [tilespmem:s23+$0x540]  }
0x2d: {  	v22 =	vld [tilespmem:s23+$0x500]  }
0x2e: {  	v27 =	vld [tilespmem:s23+$0x560]  }
0x2f: {  	v17 =	vld [tilespmem:s23+$0x140]  }
0x30: {  	v20 =	vld [tilespmem:s23+$0x520]  }
0x31: {  	v23 =	vld [tilespmem:s23+$0x150]  }
0x32: {  	v25 =	vld [tilespmem:s23+$0x160]  }
0x33: {  	v28 =	vld [tilespmem:s23+$0x170]  }
0x34: {  	v29 =	vld [tilespmem:s23+$0x130]  }
0x35: {  	v30 =	vld [tilespmem:s23+$0x100];
	v31 =	vmul.f32 v26, v4;
	v32 =	vmul.f32 v20, v20  }
0x36: {  	v34 =	vld [tilespmem:s23+$0x110];
	v33 =	vmul.f32 v27, v2;
	v35 =	vmul.f32 v24, v3  }
0x37: {  	v36 =	vld [tilespmem:s23+$0x120];
	v37 =	vmul.f32 v17, v12;
	v38 =	vmul.f32 v25, v25  }
0x38: {  	v41 =	vld [tilespmem:s23+$0x530];
	v39 =	vmul.f32 v28, v9;
	v40 =	vmul.f32 v22, v22  }
0x39: {  	v42 =	vmul.f32 v29, v29;
	v43 =	vmul.f32 v23, v11  }
0x3a: {  	v44 =	vmul.f32 v30, v15;
	v45 =	vmul.f32 v17, v17  }
0x3b: {  	v46 =	vmul.f32 v34, v16;
	v47 =	vmul.f32 v21, v7  }
0x3c: {  	v48 =	vmul.f32 v36, v14;
	v36 =	vmul.f32 v36, v36  }
0x3d: {  	v18 =	vimm.f32 $-Inf;
	v49 =	vmul.f32 v30, v30;
	v63 =	vmul.f32 v41, v5  }
0x3e: {  	v19 =	vimm.f32 $1.000000000e+00;
	v29 =	vmul.f32 v29, v13;
	v51 =	vmul.f32 v20, v6  }
0x3f: {  	s30 =	simm.s32 $0x100;
	s25 =	simm.s32 $0x80;
	v17 =	vimm.s32 $0x0;
	v41 =	vmul.f32 v41, v41;
	v23 =	vmul.f32 v23, v23  }
0x40: {  	s24 =	sand.u32 $0x3800, s30;
	s25 =	sand.u32 $0x380, s25;
	v34 =	vmul.f32 v34, v34;
	v30 =	vadd.f32 $0.0e+00, v46;
	v44 =	vadd.f32 $0.0e+00, v44  }
0x41: {  	s31 =	sor.u32 s25, s24;
	v50 =	vld [tilespmem:s23+$0x570];
	v28 =	vmul.f32 v28, v28;
	v48 =	vadd.f32 $0.0e+00, v48;
	v36 =	vadd.f32 v38, v36  }
0x42: {  	v56 =	vld [tilespmem:s31+$0x100];
	v52 =	vmul.f32 v25, v10;
	v29 =	vadd.f32 $0.0e+00, v29;
	v34 =	vadd.f32 v23, v34  }
0x43: {  	v58 =	vld [tilespmem:s31+$0x120];
	v53 =	vmul.f32 v22, v8;
	v42 =	vadd.f32 v28, v42;
	v61 =	vadd.f32 v45, v49  }
0x44: {  	v20 =	vld [tilespmem:s31+$0x550];
	v54 =	vmul.f32 v21, v21;
	v30 =	vadd.f32 v43, v30;
	v37 =	vadd.f32 v37, v44  }
0x45: {  	v25 =	vld [tilespmem:s31+$0x510];
	v24 =	vmul.f32 v24, v24;
	v32 =	vadd.f32 v32, v36;
	v38 =	vadd.f32 v52, v48  }
0x46: {  	v22 =	vld [tilespmem:s31+$0x540];
	v55 =	vmul.f32 v26, v26;
	v29 =	vadd.f32 v39, v29;
	v42 =	vadd.f32 v41, v42  }
0x47: {  	v21 =	vld [tilespmem:s31+$0x560];
	v59 =	vmul.f32 v50, v1;
	v30 =	vadd.f32 v47, v30;
	v36 =	vadd.f32 v53, v37  }
0x48: {  	v27 =	vmul.f32 v27, v27;
	v23 =	vld [tilespmem:s31+$0x500];
	v26 =	vadd.f32 v51, v38;
	v29 =	vadd.f32 v63, v29  }
0x49: {  	v62 =	vmul.f32 v50, v50;
	v28 =	vld [tilespmem:s31+$0x160];
	v35 =	vadd.f32 v35, v30;
	v31 =	vadd.f32 v31, v36  }
0x4a: {  	v46 =	vmul.f32 v58, v58;
	v44 =	vld [tilespmem:s31+$0x140];
	v26 =	vadd.f32 v33, v26;
	v29 =	vadd.f32 v59, v29  }
0x4b: {  	v39 =	vld [tilespmem:s31+$0x110];
	v45 =	vmul.f32 v25, v7;
	v57 =	vadd.f32 v27, v32;
	v42 =	vadd.f32 v62, v42  }
0x4c: {  	v51 =	vld [tilespmem:s31+$0x520];
	v32 =	vmul.f32 v20, v3;
	v63 =	vadd.f32 v35, v31;
	v29 =	vadd.f32 v29, v26  }
0x4d: {  	v47 =	vld [tilespmem:s31+$0x130];
	v53 =	vmul.f32 v56, v15;
	v62 =	vmul.f32 v58, v14;
	v30 =	vadd.f32 v54, v34  }
0x4e: {  	v41 =	vmul.f32 v28, v28;
	v31 =	vadd.f32 v40, v61;
	v29 =	vadd.f32 v29, v63  }
0x4f: {  	v27 =	vmul.f32 v23, v23;
	v43 =	vmul.f32 v44, v12;
	v60 =	vadd.f32 v24, v30;
	v30 =	vld [tilespmem:s31+$0x150]  }
0x50: {  	v36 =	vld [tilespmem:s31+$0x170];
	v24 =	vmul.f32 v22, v4;
	v26 =	vmul.f32 v21, v2;
	v31 =	vadd.f32 v55, v31;
	(xrf2) =	vadd.scan.msk.f32 $0xffff, v29  }
0x51: {  	v59 =	vld [tilespmem:s31+$0x530];
	v40 =	vadd.f32 v42, v57;
	v61 =	vmul.f32 v39, v16;
	v35 =	vmul.f32 v56, v56  }
0x52: {  	v37 =	vmul.f32 v51, v51;
	v34 =	vmul.f32 v47, v47;
	v60 =	vadd.f32 v60, v31  }
0x53: {  	v49 =	vadd.f32 $0.0e+00, v53;
	v47 =	vmul.f32 v47, v13;
	v42 =	vmul.f32 v51, v6  }
0x54: {  	v33 =	vadd.f32 $0.0e+00, v61;
	v52 =	vmul.f32 v30, v11;
	v63 =	vadd.f32 v40, v60  }
0x55: {  	s29 =	simm.s32 $0x200;
	v38 =	vmul.f32 v36, v9;
	v31 =	vmul.f32 v44, v44;
	v44 =	vadd.f32 $0.0e+00, v62  }
0x56: {  	s25 =	simm.s32 $0x100;
	s24 =	smov.u32 s10;
	s23 =	sadd.s32 $0x1, s10;
	v29 =	vld [tilespmem:s31+$0x570];
	v40 =	vmul.f32 v59, v5;
	v48 =	vadd.f32 v52, v33;
	v33 =	vmul.f32 v59, v59;
	(xrf2) =	vadd.scan.msk.f32 $0xffff, v63  }
.LBB2_2:
0x57: {  	s26 =	smov.u32 s29  }
0x58: {  	s28 =	sand.u32 $0x3800, s29;
	s30 =	sand.u32 $0x380, s25;
	v43 =	vadd.f32 v43, v49;
	v41 =	vadd.f32 v41, v46;
	v36 =	vmul.f32 v36, v36;
	s26 =	sadd.s32 $0x100, s29  }
0x59: {  	p0 =	sne.s32 s29, $0x3F00;
	v46 =	vadd.f32 $0.0e+00, v47;
	v30 =	vmul.f32 v30, v30;
	s28 =	sor.u32 s30, s28;
	v45 =	vadd.f32 v45, v48  }
0x5a: {  	v39 =	vmul.f32 v39, v39;
	v28 =	vmul.f32 v28, v10;
	v41 =	vadd.f32 v37, v41;
	v47 =	vld [tilespmem:s28+$0x550];
	v37, _, _ =	vpop (xrf2)  }
0x5b: {  	v49 =	vmul.f32 v23, v8;
	v50 =	vmul.f32 v22, v22;
	v48 =	vld [tilespmem:s28+$0x510];
	v23 =	vand.u32 $0x7FFFFFFF, v37  }
0x5c: {  	v25 =	vmul.f32 v25, v25;
	v30 =	vadd.f32 v30, v39;
	v22 =	vld [tilespmem:s28+$0x540];
	v37 =	vmul.f32 v23, v37  }
0x5d: {  	v28 =	vadd.f32 v28, v44;
	v39 =	vmul.f32 v29, v1;
	v32 =	vadd.f32 v32, v45;
	v23 =	vld [tilespmem:s28+$0x500]  }
0x5e: {  	v38 =	vadd.f32 v38, v46;
	v43 =	vadd.f32 v49, v43;
	v44 =	vmul.f32 v21, v21;
	v21 =	vld [tilespmem:s28+$0x560]  }
0x5f: {  	v49 =	vadd.f32 v25, v30;
	v30 =	vmul.f32 v20, v20;
	v46 =	vmul.f32 v37, v19;
	v45 =	vld [tilespmem:s28+$0x570];
	v20 =	vmovc v47  }
0x60: {  	v34 =	vadd.f32 v36, v34;
	v28 =	vadd.f32 v42, v28;
	v42 =	vmul.f32 v29, v29;
	v47 =	vld [tilespmem:s28+$0x140];
	v29, _, _ =	vpop (xrf2)  }
0x61: {  	v36 =	vadd.f32 v40, v38;
	v40 =	vadd.f32 v30, v49;
	v25 =	vmovc v48;
	v51 =	vld [tilespmem:s28+$0x520];
	v38 =	vmul.f32 v29, v18  }
0x62: {  	v43 =	vadd.f32 v24, v43;
	v26 =	vadd.f32 v26, v28;
	v24 =	vmul.f32 v22, v4;
	v30 =	vld [tilespmem:s28+$0x150]  }
0x63: {  	v31 =	vadd.f32 v31, v35;
	v35 =	vadd.f32 v39, v36;
	v28 =	vld [tilespmem:s28+$0x160];
	vm0 =	vgt.f32 v46, v38  }
0x64: {  	v38 =	vadd.f32 v32, v43;
	v36 =	vld [tilespmem:s28+$0x170];
	v18 =	vsel vm0, v37, v18;
	v19 =	vsel vm0, v29, v19;
	v29 =	vmovc v45  }
0x65: {  	v27 =	vadd.f32 v27, v31;
	v31 =	vadd.f32 v35, v26;
	v17 =	vsel vm0, s24, v17;
	s24 =	smov.u32 s23;
	v48 =	vld [tilespmem:s28+$0x130]  }
0x66: {  	v44 =	vadd.f32 v44, v41;
	v26 =	vmul.f32 v21, v2;
	v35 =	vld [tilespmem:s28+$0x100];
	v37 =	vmul.f32 v51, v51  }
0x67: {  	v33 =	vadd.f32 v33, v34;
	v32 =	vmul.f32 v20, v3;
	v31 =	vadd.f32 v31, v38;
	v39 =	vld [tilespmem:s28+$0x110]  }
0x68: {  	v45 =	vadd.f32 v50, v27;
	v43 =	vmul.f32 v47, v12;
	v46 =	vld [tilespmem:s28+$0x120];
	v41 =	vmul.f32 v28, v28  }
0x69: {  	v33 =	vadd.f32 v42, v33;
	v27 =	vmul.f32 v23, v23;
	v38 =	vmul.f32 v36, v9;
	v50 =	vld [tilespmem:s28+$0x530];
	(xrf2) =	vadd.scan.msk.f32 $0xffff, v31  }
0x6a: {  	v40 =	vadd.f32 v40, v45;
	v42 =	vmul.f32 v30, v11;
	v34 =	vmul.f32 v48, v48  }
0x6b: {  	v33 =	vadd.f32 v33, v44;
	v31 =	vmul.f32 v47, v47;
	v49 =	vmul.f32 v35, v15  }
.Ltmp0:
0x6c: {  	v45 =	vmul.f32 v25, v7;
	v44 =	vmul.f32 v39, v16;
	(pc) =	sbr.rel @p0 .LBB2_2-.Ltmp0, $4  }
0x6d: {  	v33 =	vadd.f32 v33, v40;
	v47 =	vmul.f32 v46, v14;
	v46 =	vmul.f32 v46, v46  }
0x6e: {  	v35 =	vmul.f32 v35, v35;
	v52 =	vadd.f32 $0.0e+00, v44;
	v40 =	vmul.f32 v50, v5  }
0x6f: {  	v49 =	vadd.f32 $0.0e+00, v49;
	v44 =	vadd.f32 $0.0e+00, v47;
	v47 =	vmul.f32 v48, v13;
	(xrf2) =	vadd.scan.msk.f32 $0xffff, v33  }
0x70: {  	s25 =	sadd.s32 $0x80, s25;
	s29 =	smov.u32 s26;
	s23 =	sadd.s32 $0x1, s23;
	v33 =	vmul.f32 v50, v50;
	v48 =	vadd.f32 v42, v52;
	v42 =	vmul.f32 v51, v6  }
0x71: {  	v43 =	vadd.f32 v43, v49;
	v36 =	vmul.f32 v36, v36  }
0x72: {  	v41 =	vadd.f32 v41, v46;
	v30 =	vmul.f32 v30, v30;
	v39 =	vmul.f32 v39, v39  }
0x73: {  	v53 =	vadd.f32 $0.0e+00, v47;
	v28 =	vmul.f32 v28, v10;
	v45 =	vadd.f32 v45, v48  }
0x74: {  	v23 =	vmul.f32 v23, v8;
	v37 =	vadd.f32 v37, v41;
	v30 =	vadd.f32 v30, v39  }
0x75: {  	v25 =	vmul.f32 v25, v25;
	v28 =	vadd.f32 v28, v44;
	v38 =	vadd.f32 v38, v53  }
0x76: {  	v23 =	vadd.f32 v23, v43;
	v32 =	vadd.f32 v32, v45  }
0x77: {  	v20 =	vmul.f32 v20, v20;
	v25 =	vadd.f32 v25, v30;
	v30 =	vadd.f32 v36, v34  }
0x78: {  	v22 =	vmul.f32 v22, v22;
	v28 =	vadd.f32 v42, v28;
	v54 =	vadd.f32 v40, v38  }
0x79: {  	v55 =	vmul.f32 v29, v1;
	v20 =	vadd.f32 v20, v25;
	v25 =	vadd.f32 v31, v35  }
0x7a: {  	v21 =	vmul.f32 v21, v21;
	v23 =	vadd.f32 v24, v23;
	v24 =	vadd.f32 v26, v28  }
0x7b: {  	v26 =	vmul.f32 v29, v29;
	v25 =	vadd.f32 v27, v25;
	v27 =	vadd.f32 v33, v30  }
0x7c: {  	v21 =	vadd.f32 v21, v37;
	v28 =	vadd.f32 v55, v54  }
0x7d: {  	v22 =	vadd.f32 v22, v25;
	v25 =	vadd.f32 v26, v27  }
0x7e: {  	v23 =	vadd.f32 v32, v23;
	v24 =	vadd.f32 v28, v24  }
0x7f: {  	v20 =	vadd.f32 v20, v22;
	v21 =	vadd.f32 v25, v21  }
0x80: {  	v22 =	vadd.f32 v24, v23  }
0x81: {  	v20 =	vadd.f32 v21, v20  }
0x82: {  	(xrf2) =	vadd.scan.msk.f32 $0xffff, v22  }
0x83: {  	(xrf2) =	vadd.scan.msk.f32 $0xffff, v20;
	_ =	sdelay $0x6  }
0x84: {  	v20, _, _ =	vpop (xrf2)  }
0x85: {  	v21, _, _ =	vpop (xrf2)  }
0x86: {  	s25 =	simm.s32 $0x0;
	v22, _, _ =	vpop (xrf2)  }
0x87: {  	[tilespmem:s16], [sflag:$0x1] =	stream.linear.gather [hbm4b:s6+s25], $0x4000, $0x38;
	v23, _, _ =	vpop (xrf2);
	[tilespmem:$0x8200] =	vst v63  }
0x88: {  	_ =	swait.ge [sflag:s19], $0x4000  }
0x89: {  	s26 =	sand.u32 $0x3800, s25;
	s25 =	sand.u32 $0x380, s25;
	[sflag:s19] =	ssyncset.done $0x0  }
0x8a: {  	s25 =	sor.u32 s25, s26;
	[sflag:s19] =	ssyncadd.s32 $0xFFFFC000  }
0x8b: {  	v24 =	vld [tilespmem:s25+$0x4550]  }
0x8c: {  	v26 =	vld [tilespmem:s25+$0x4510]  }
0x8d: {  	v27 =	vld [tilespmem:s25+$0x4540]  }
0x8e: {  	v25 =	vand.u32 $0x7FFFFFFF, v20;
	v28 =	vld [tilespmem:s25+$0x4500]  }
0x8f: {  	v20 =	vmul.f32 v25, v20;
	v29 =	vld [tilespmem:s25+$0x4560]  }
0x90: {  	v25 =	vld [tilespmem:s25+$0x4140]  }
0x91: {  	v31 =	vmul.f32 v21, v18;
	v30 =	vmul.f32 v20, v19;
	v32 =	vld [tilespmem:s25+$0x4520]  }
0x92: {  	v34 =	vld [tilespmem:s25+$0x4150]  }
0x93: {  	vm0 =	vgt.f32 v30, v31;
	v56 =	vand.u32 $0x7FFFFFFF, v22;
	v30 =	vld [tilespmem:s25+$0x4160]  }
0x94: {  	v18 =	vsel vm0, v20, v18;
	v19 =	vsel vm0, v21, v19;
	v22 =	vmul.f32 v56, v22;
	v21 =	vld [tilespmem:s25+$0x4170]  }
0x95: {  	v31 =	vmul.f32 v23, v18;
	v57 =	vld [tilespmem:s25+$0x4130]  }
0x96: {  	v20 =	vmul.f32 v22, v19;
	v58 =	vld [tilespmem:s25+$0x4100];
	v35 =	vmul.f32 v27, v4  }
0x97: {  	v60 =	vld [tilespmem:s25+$0x4110];
	v59 =	vmul.f32 v32, v32;
	v38 =	vmul.f32 v29, v2  }
0x98: {  	v61 =	vld [tilespmem:s25+$0x4120];
	v40 =	vmul.f32 v24, v3;
	v62 =	vmul.f32 v25, v12  }
0x99: {  	v63 =	vmul.f32 v30, v30;
	v52 =	vmul.f32 v21, v9  }
0x9a: {  	v53 =	vld [tilespmem:s25+$0x4530];
	vm15 =	vgt.f32 v20, v31;
	v45 =	vmul.f32 v28, v28;
	v31 =	vmul.f32 v57, v57  }
0x9b: {  	v18 =	vsel vm15, v22, v18;
	v20 =	vmul.f32 v34, v11;
	v22 =	vmul.f32 v58, v15  }
0x9c: {  	v19 =	vsel vm15, v23, v19;
	v47 =	vmul.f32 v25, v25;
	v23 =	vmul.f32 v60, v16  }
0x9d: {  	v54 =	vmul.f32 v26, v7;
	v25 =	vmul.f32 v61, v14  }
0x9e: {  	v41 =	vmul.f32 v61, v61;
	v36 =	vmul.f32 v58, v58  }
0x9f: {  	v17 =	vsel vm0, s24, v17;
	v55 =	vmul.f32 v53, v5;
	v46 =	vmul.f32 v53, v53  }
0xa0: {  	s30 =	simm.s32 $0x100;
	s31 =	simm.s32 $0x80;
	v17 =	vsel vm15, s23, v17;
	v34 =	vmul.f32 v34, v34;
	v39 =	vmul.f32 v60, v60  }
0xa1: {  	s24 =	sand.u32 $0x380, s31;
	s23 =	sand.u32 $0x3800, s30;
	v60 =	vmul.f32 v21, v21;
	v23 =	vadd.f32 $0.0e+00, v23;
	v22 =	vadd.f32 $0.0e+00, v22  }
0xa2: {  	v56 =	vld [tilespmem:s25+$0x4570];
	s23 =	sor.u32 s24, s23;
	v30 =	vmul.f32 v30, v10;
	v50 =	vadd.f32 $0.0e+00, v25;
	v34 =	vadd.f32 v34, v39  }
0xa3: {  	v51 =	vld [tilespmem:s23+$0x4530];
	v25 =	vmul.f32 v57, v13;
	v31 =	vadd.f32 v60, v31;
	v23 =	vadd.f32 v20, v23  }
0xa4: {  	v26 =	vmul.f32 v26, v26;
	v21 =	vld [tilespmem:s23+$0x4560];
	v42 =	vadd.f32 v62, v22;
	v22 =	vadd.f32 v63, v41  }
0xa5: {  	v32 =	vmul.f32 v32, v6;
	v39 =	vld [tilespmem:s23+$0x4110];
	v57 =	vadd.f32 $0.0e+00, v25;
	v30 =	vadd.f32 v30, v50  }
0xa6: {  	v28 =	vmul.f32 v28, v8;
	v20 =	vld [tilespmem:s23+$0x4550];
	v26 =	vadd.f32 v26, v34;
	v31 =	vadd.f32 v46, v31  }
0xa7: {  	v24 =	vmul.f32 v24, v24;
	v25 =	vld [tilespmem:s23+$0x4510];
	v58 =	vadd.f32 v54, v23;
	v59 =	vadd.f32 v59, v22  }
0xa8: {  	v33 =	vmul.f32 v56, v56;
	v50 =	vld [tilespmem:s23+$0x4520];
	v62 =	vadd.f32 v52, v57;
	v28 =	vadd.f32 v28, v42  }
0xa9: {  	v27 =	vmul.f32 v27, v27;
	v63 =	vld [tilespmem:s23+$0x4140];
	v32 =	vadd.f32 v32, v30;
	v54 =	vadd.f32 v24, v26  }
0xaa: {  	v22 =	vld [tilespmem:s23+$0x4540];
	v52 =	vmul.f32 v56, v1;
	v33 =	vadd.f32 v33, v31;
	v53 =	vadd.f32 v55, v62  }
0xab: {  	v29 =	vmul.f32 v29, v29;
	v23 =	vld [tilespmem:s23+$0x4500];
	v61 =	vadd.f32 v40, v58;
	v26 =	vadd.f32 v35, v28  }
0xac: {  	v30 =	vld [tilespmem:s23+$0x4150];
	v32 =	vadd.f32 v38, v32;
	v62 =	vmul.f32 v39, v16;
	v34 =	vadd.f32 v52, v53  }
0xad: {  	v28 =	vld [tilespmem:s23+$0x4160];
	v55 =	vadd.f32 v47, v36;
	v40 =	vmul.f32 v51, v5;
	v37 =	vmul.f32 v50, v50  }
0xae: {  	v36 =	vld [tilespmem:s23+$0x4170];
	v43 =	vmul.f32 v63, v12;
	v56 =	vadd.f32 v61, v26;
	v57 =	vadd.f32 v34, v32  }
0xaf: {  	v47 =	vld [tilespmem:s23+$0x4130];
	v29 =	vadd.f32 v29, v59;
	v31 =	vmul.f32 v63, v63;
	v42 =	vmul.f32 v50, v6  }
0xb0: {  	v58 =	vld [tilespmem:s23+$0x4100];
	v35 =	vadd.f32 v45, v55;
	v26 =	vmul.f32 v21, v2;
	v61 =	vadd.f32 v57, v56  }
0xb1: {  	v59 =	vld [tilespmem:s23+$0x4120];
	v29 =	vadd.f32 v33, v29;
	v45 =	vmul.f32 v25, v7;
	v33 =	vmul.f32 v51, v51  }
0xb2: {  	v24 =	vmul.f32 v22, v4;
	v60 =	vmul.f32 v30, v11;
	v35 =	vadd.f32 v27, v35;
	(xrf2) =	vadd.scan.msk.f32 $0xffff, v61  }
0xb3: {  	v32 =	vmul.f32 v20, v3;
	v27 =	vmul.f32 v23, v23  }
0xb4: {  	v41 =	vmul.f32 v28, v28;
	v38 =	vmul.f32 v36, v9;
	v35 =	vadd.f32 v54, v35  }
0xb5: {  	v34 =	vmul.f32 v47, v47;
	v52 =	vmul.f32 v58, v15  }
0xb6: {  	v63 =	vmul.f32 v59, v14;
	v54 =	vadd.f32 $0.0e+00, v62;
	v53 =	vadd.f32 v29, v35  }
0xb7: {  	s29 =	simm.s32 $0x200;
	v46 =	vmul.f32 v59, v59;
	v47 =	vmul.f32 v47, v13;
	v49 =	vadd.f32 $0.0e+00, v52  }
0xb8: {  	s25 =	simm.s32 $0x100;
	s24 =	smov.u32 s12;
	v44 =	vadd.f32 $0.0e+00, v63;
	v35 =	vmul.f32 v58, v58;
	v29 =	vld [tilespmem:s23+$0x4570];
	v48 =	vadd.f32 v60, v54;
	s23 =	sadd.s32 $0x1, s12;
	(xrf2) =	vadd.scan.msk.f32 $0xffff, v53  }
.LBB2_4:
0xb9: {  	s26 =	smov.u32 s29  }
0xba: {  	s28 =	sand.u32 $0x3800, s29;
	s30 =	sand.u32 $0x380, s25;
	v43 =	vadd.f32 v43, v49;
	v41 =	vadd.f32 v41, v46;
	v36 =	vmul.f32 v36, v36;
	s26 =	sadd.s32 $0x100, s29  }
0xbb: {  	p0 =	sne.s32 s29, $0x3F00;
	v46 =	vadd.f32 $0.0e+00, v47;
	v30 =	vmul.f32 v30, v30;
	s28 =	sor.u32 s30, s28;
	v45 =	vadd.f32 v45, v48  }
0xbc: {  	v39 =	vmul.f32 v39, v39;
	v28 =	vmul.f32 v28, v10;
	v41 =	vadd.f32 v37, v41;
	v47 =	vld [tilespmem:s28+$0x4550];
	v37, _, _ =	vpop (xrf2)  }
0xbd: {  	v49 =	vmul.f32 v23, v8;
	v50 =	vmul.f32 v22, v22;
	v48 =	vld [tilespmem:s28+$0x4510];
	v23 =	vand.u32 $0x7FFFFFFF, v37  }
0xbe: {  	v25 =	vmul.f32 v25, v25;
	v30 =	vadd.f32 v30, v39;
	v22 =	vld [tilespmem:s28+$0x4540];
	v37 =	vmul.f32 v23, v37  }
0xbf: {  	v28 =	vadd.f32 v28, v44;
	v39 =	vmul.f32 v29, v1;
	v32 =	vadd.f32 v32, v45;
	v23 =	vld [tilespmem:s28+$0x4500]  }
0xc0: {  	v38 =	vadd.f32 v38, v46;
	v43 =	vadd.f32 v49, v43;
	v44 =	vmul.f32 v21, v21;
	v21 =	vld [tilespmem:s28+$0x4560]  }
0xc1: {  	v49 =	vadd.f32 v25, v30;
	v30 =	vmul.f32 v20, v20;
	v46 =	vmul.f32 v37, v19;
	v45 =	vld [tilespmem:s28+$0x4570];
	v20 =	vmovc v47  }
0xc2: {  	v34 =	vadd.f32 v36, v34;
	v28 =	vadd.f32 v42, v28;
	v42 =	vmul.f32 v29, v29;
	v47 =	vld [tilespmem:s28+$0x4140];
	v29, _, _ =	vpop (xrf2)  }
0xc3: {  	v36 =	vadd.f32 v40, v38;
	v40 =	vadd.f32 v30, v49;
	v25 =	vmovc v48;
	v51 =	vld [tilespmem:s28+$0x4520];
	v38 =	vmul.f32 v29, v18  }
0xc4: {  	v43 =	vadd.f32 v24, v43;
	v26 =	vadd.f32 v26, v28;
	v24 =	vmul.f32 v22, v4;
	v30 =	vld [tilespmem:s28+$0x4150]  }
0xc5: {  	v31 =	vadd.f32 v31, v35;
	v35 =	vadd.f32 v39, v36;
	v28 =	vld [tilespmem:s28+$0x4160];
	vm0 =	vgt.f32 v46, v38  }
0xc6: {  	v38 =	vadd.f32 v32, v43;
	v36 =	vld [tilespmem:s28+$0x4170];
	v18 =	vsel vm0, v37, v18;
	v19 =	vsel vm0, v29, v19;
	v29 =	vmovc v45  }
0xc7: {  	v27 =	vadd.f32 v27, v31;
	v31 =	vadd.f32 v35, v26;
	v17 =	vsel vm0, s24, v17;
	s24 =	smov.u32 s23;
	v48 =	vld [tilespmem:s28+$0x4130]  }
0xc8: {  	v44 =	vadd.f32 v44, v41;
	v26 =	vmul.f32 v21, v2;
	v35 =	vld [tilespmem:s28+$0x4100];
	v37 =	vmul.f32 v51, v51  }
0xc9: {  	v33 =	vadd.f32 v33, v34;
	v32 =	vmul.f32 v20, v3;
	v31 =	vadd.f32 v31, v38;
	v39 =	vld [tilespmem:s28+$0x4110]  }
0xca: {  	v45 =	vadd.f32 v50, v27;
	v43 =	vmul.f32 v47, v12;
	v46 =	vld [tilespmem:s28+$0x4120];
	v41 =	vmul.f32 v28, v28  }
0xcb: {  	v33 =	vadd.f32 v42, v33;
	v27 =	vmul.f32 v23, v23;
	v38 =	vmul.f32 v36, v9;
	v50 =	vld [tilespmem:s28+$0x4530];
	(xrf2) =	vadd.scan.msk.f32 $0xffff, v31  }
0xcc: {  	v40 =	vadd.f32 v40, v45;
	v42 =	vmul.f32 v30, v11;
	v34 =	vmul.f32 v48, v48  }
0xcd: {  	v33 =	vadd.f32 v33, v44;
	v31 =	vmul.f32 v47, v47;
	v49 =	vmul.f32 v35, v15  }
.Ltmp1:
0xce: {  	v45 =	vmul.f32 v25, v7;
	v44 =	vmul.f32 v39, v16;
	(pc) =	sbr.rel @p0 .LBB2_4-.Ltmp1, $4  }
0xcf: {  	v33 =	vadd.f32 v33, v40;
	v47 =	vmul.f32 v46, v14;
	v46 =	vmul.f32 v46, v46  }
0xd0: {  	v35 =	vmul.f32 v35, v35;
	v52 =	vadd.f32 $0.0e+00, v44;
	v40 =	vmul.f32 v50, v5  }
0xd1: {  	v49 =	vadd.f32 $0.0e+00, v49;
	v44 =	vadd.f32 $0.0e+00, v47;
	v47 =	vmul.f32 v48, v13;
	(xrf2) =	vadd.scan.msk.f32 $0xffff, v33  }
0xd2: {  	s25 =	sadd.s32 $0x80, s25;
	s29 =	smov.u32 s26;
	s23 =	sadd.s32 $0x1, s23;
	v33 =	vmul.f32 v50, v50;
	v48 =	vadd.f32 v42, v52;
	v42 =	vmul.f32 v51, v6  }
0xd3: {  	v43 =	vadd.f32 v43, v49;
	v36 =	vmul.f32 v36, v36  }
0xd4: {  	v41 =	vadd.f32 v41, v46;
	v30 =	vmul.f32 v30, v30;
	v39 =	vmul.f32 v39, v39  }
0xd5: {  	v53 =	vadd.f32 $0.0e+00, v47;
	v28 =	vmul.f32 v28, v10;
	v45 =	vadd.f32 v45, v48  }
0xd6: {  	v23 =	vmul.f32 v23, v8;
	v37 =	vadd.f32 v37, v41;
	v30 =	vadd.f32 v30, v39  }
0xd7: {  	v25 =	vmul.f32 v25, v25;
	v28 =	vadd.f32 v28, v44;
	v38 =	vadd.f32 v38, v53  }
0xd8: {  	v23 =	vadd.f32 v23, v43;
	v32 =	vadd.f32 v32, v45  }
0xd9: {  	v20 =	vmul.f32 v20, v20;
	v25 =	vadd.f32 v25, v30;
	v30 =	vadd.f32 v36, v34  }
0xda: {  	v22 =	vmul.f32 v22, v22;
	v28 =	vadd.f32 v42, v28;
	v54 =	vadd.f32 v40, v38  }
0xdb: {  	v55 =	vmul.f32 v29, v1;
	v20 =	vadd.f32 v20, v25;
	v25 =	vadd.f32 v31, v35  }
0xdc: {  	v21 =	vmul.f32 v21, v21;
	v23 =	vadd.f32 v24, v23;
	v24 =	vadd.f32 v26, v28  }
0xdd: {  	v26 =	vmul.f32 v29, v29;
	v25 =	vadd.f32 v27, v25;
	v27 =	vadd.f32 v33, v30  }
0xde: {  	v21 =	vadd.f32 v21, v37;
	v28 =	vadd.f32 v55, v54  }
0xdf: {  	v22 =	vadd.f32 v22, v25;
	v25 =	vadd.f32 v26, v27  }
0xe0: {  	v23 =	vadd.f32 v32, v23;
	v24 =	vadd.f32 v28, v24  }
0xe1: {  	v20 =	vadd.f32 v20, v22;
	v21 =	vadd.f32 v25, v21  }
0xe2: {  	v22 =	vadd.f32 v24, v23  }
0xe3: {  	v20 =	vadd.f32 v21, v20  }
0xe4: {  	(xrf2) =	vadd.scan.msk.f32 $0xffff, v22  }
0xe5: {  	(xrf2) =	vadd.scan.msk.f32 $0xffff, v20;
	_ =	sdelay $0x6  }
0xe6: {  	v20, _, _ =	vpop (xrf2)  }
0xe7: {  	v21, _, _ =	vpop (xrf2)  }
0xe8: {  	s25 =	simm.s32 $0x0;
	v22, _, _ =	vpop (xrf2)  }
0xe9: {  	[tilespmem:s17], [sflag:$0x2] =	stream.linear.gather [hbm4b:s7+s25], $0x4000, $0x38;
	v23, _, _ =	vpop (xrf2);
	[tilespmem:$0x8200] =	vst v63  }
0xea: {  	_ =	swait.ge [sflag:s18], $0x4000  }
0xeb: {  	s26 =	sand.u32 $0x3800, s25;
	s25 =	sand.u32 $0x380, s25;
	[sflag:s18] =	ssyncset.done $0x0  }
0xec: {  	s25 =	sor.u32 s25, s26;
	[sflag:s18] =	ssyncadd.s32 $0xFFFFC000  }
0xed: {  	v24 =	vld [tilespmem:s25+$0x550]  }
0xee: {  	v26 =	vld [tilespmem:s25+$0x510]  }
0xef: {  	v27 =	vld [tilespmem:s25+$0x540]  }
0xf0: {  	v25 =	vand.u32 $0x7FFFFFFF, v20;
	v28 =	vld [tilespmem:s25+$0x500]  }
0xf1: {  	v20 =	vmul.f32 v25, v20;
	v29 =	vld [tilespmem:s25+$0x560]  }
0xf2: {  	v25 =	vld [tilespmem:s25+$0x140]  }
0xf3: {  	v31 =	vmul.f32 v21, v18;
	v30 =	vmul.f32 v20, v19;
	v32 =	vld [tilespmem:s25+$0x520]  }
0xf4: {  	v34 =	vld [tilespmem:s25+$0x150]  }
0xf5: {  	vm0 =	vgt.f32 v30, v31;
	v56 =	vand.u32 $0x7FFFFFFF, v22;
	v30 =	vld [tilespmem:s25+$0x160]  }
0xf6: {  	v18 =	vsel vm0, v20, v18;
	v19 =	vsel vm0, v21, v19;
	v22 =	vmul.f32 v56, v22;
	v21 =	vld [tilespmem:s25+$0x170]  }
0xf7: {  	v31 =	vmul.f32 v23, v18;
	v57 =	vld [tilespmem:s25+$0x130]  }
0xf8: {  	v20 =	vmul.f32 v22, v19;
	v58 =	vld [tilespmem:s25+$0x100];
	v35 =	vmul.f32 v27, v4  }
0xf9: {  	v60 =	vld [tilespmem:s25+$0x110];
	v59 =	vmul.f32 v32, v32;
	v38 =	vmul.f32 v29, v2  }
0xfa: {  	v61 =	vld [tilespmem:s25+$0x120];
	v40 =	vmul.f32 v24, v3;
	v62 =	vmul.f32 v25, v12  }
0xfb: {  	v63 =	vmul.f32 v30, v30;
	v52 =	vmul.f32 v21, v9  }
0xfc: {  	v53 =	vld [tilespmem:s25+$0x530];
	vm15 =	vgt.f32 v20, v31;
	v45 =	vmul.f32 v28, v28;
	v31 =	vmul.f32 v57, v57  }
0xfd: {  	v18 =	vsel vm15, v22, v18;
	v20 =	vmul.f32 v34, v11;
	v22 =	vmul.f32 v58, v15  }
0xfe: {  	v19 =	vsel vm15, v23, v19;
	v47 =	vmul.f32 v25, v25;
	v23 =	vmul.f32 v60, v16  }
0xff: {  	v54 =	vmul.f32 v26, v7;
	v25 =	vmul.f32 v61, v14  }
0x100: {  	v41 =	vmul.f32 v61, v61;
	v36 =	vmul.f32 v58, v58  }
0x101: {  	v17 =	vsel vm0, s24, v17;
	v55 =	vmul.f32 v53, v5;
	v46 =	vmul.f32 v53, v53  }
0x102: {  	s30 =	simm.s32 $0x100;
	s31 =	simm.s32 $0x80;
	v17 =	vsel vm15, s23, v17;
	v34 =	vmul.f32 v34, v34;
	v39 =	vmul.f32 v60, v60  }
0x103: {  	s24 =	sand.u32 $0x380, s31;
	s23 =	sand.u32 $0x3800, s30;
	v60 =	vmul.f32 v21, v21;
	v23 =	vadd.f32 $0.0e+00, v23;
	v22 =	vadd.f32 $0.0e+00, v22  }
0x104: {  	v56 =	vld [tilespmem:s25+$0x570];
	s23 =	sor.u32 s24, s23;
	v30 =	vmul.f32 v30, v10;
	v50 =	vadd.f32 $0.0e+00, v25;
	v34 =	vadd.f32 v34, v39  }
0x105: {  	v51 =	vld [tilespmem:s23+$0x530];
	v25 =	vmul.f32 v57, v13;
	v31 =	vadd.f32 v60, v31;
	v23 =	vadd.f32 v20, v23  }
0x106: {  	v26 =	vmul.f32 v26, v26;
	v21 =	vld [tilespmem:s23+$0x560];
	v42 =	vadd.f32 v62, v22;
	v22 =	vadd.f32 v63, v41  }
0x107: {  	v32 =	vmul.f32 v32, v6;
	v39 =	vld [tilespmem:s23+$0x110];
	v57 =	vadd.f32 $0.0e+00, v25;
	v30 =	vadd.f32 v30, v50  }
0x108: {  	v28 =	vmul.f32 v28, v8;
	v20 =	vld [tilespmem:s23+$0x550];
	v26 =	vadd.f32 v26, v34;
	v31 =	vadd.f32 v46, v31  }
0x109: {  	v24 =	vmul.f32 v24, v24;
	v25 =	vld [tilespmem:s23+$0x510];
	v58 =	vadd.f32 v54, v23;
	v59 =	vadd.f32 v59, v22  }
0x10a: {  	v33 =	vmul.f32 v56, v56;
	v50 =	vld [tilespmem:s23+$0x520];
	v62 =	vadd.f32 v52, v57;
	v28 =	vadd.f32 v28, v42  }
0x10b: {  	v27 =	vmul.f32 v27, v27;
	v63 =	vld [tilespmem:s23+$0x140];
	v32 =	vadd.f32 v32, v30;
	v54 =	vadd.f32 v24, v26  }
0x10c: {  	v22 =	vld [tilespmem:s23+$0x540];
	v52 =	vmul.f32 v56, v1;
	v33 =	vadd.f32 v33, v31;
	v53 =	vadd.f32 v55, v62  }
0x10d: {  	v29 =	vmul.f32 v29, v29;
	v23 =	vld [tilespmem:s23+$0x500];
	v61 =	vadd.f32 v40, v58;
	v26 =	vadd.f32 v35, v28  }
0x10e: {  	v30 =	vld [tilespmem:s23+$0x150];
	v32 =	vadd.f32 v38, v32;
	v62 =	vmul.f32 v39, v16;
	v34 =	vadd.f32 v52, v53  }
0x10f: {  	v28 =	vld [tilespmem:s23+$0x160];
	v55 =	vadd.f32 v47, v36;
	v40 =	vmul.f32 v51, v5;
	v37 =	vmul.f32 v50, v50  }
0x110: {  	v36 =	vld [tilespmem:s23+$0x170];
	v43 =	vmul.f32 v63, v12;
	v56 =	vadd.f32 v61, v26;
	v57 =	vadd.f32 v34, v32  }
0x111: {  	v47 =	vld [tilespmem:s23+$0x130];
	v29 =	vadd.f32 v29, v59;
	v31 =	vmul.f32 v63, v63;
	v42 =	vmul.f32 v50, v6  }
0x112: {  	v58 =	vld [tilespmem:s23+$0x100];
	v35 =	vadd.f32 v45, v55;
	v26 =	vmul.f32 v21, v2;
	v61 =	vadd.f32 v57, v56  }
0x113: {  	v59 =	vld [tilespmem:s23+$0x120];
	v29 =	vadd.f32 v33, v29;
	v45 =	vmul.f32 v25, v7;
	v33 =	vmul.f32 v51, v51  }
0x114: {  	v24 =	vmul.f32 v22, v4;
	v60 =	vmul.f32 v30, v11;
	v35 =	vadd.f32 v27, v35;
	(xrf2) =	vadd.scan.msk.f32 $0xffff, v61  }
0x115: {  	v32 =	vmul.f32 v20, v3;
	v27 =	vmul.f32 v23, v23  }
0x116: {  	v41 =	vmul.f32 v28, v28;
	v38 =	vmul.f32 v36, v9;
	v35 =	vadd.f32 v54, v35  }
0x117: {  	v34 =	vmul.f32 v47, v47;
	v52 =	vmul.f32 v58, v15  }
0x118: {  	v63 =	vmul.f32 v59, v14;
	v54 =	vadd.f32 $0.0e+00, v62;
	v53 =	vadd.f32 v29, v35  }
0x119: {  	s29 =	simm.s32 $0x200;
	v46 =	vmul.f32 v59, v59;
	v47 =	vmul.f32 v47, v13;
	v49 =	vadd.f32 $0.0e+00, v52  }
0x11a: {  	s25 =	simm.s32 $0x100;
	s24 =	smov.u32 s13;
	v44 =	vadd.f32 $0.0e+00, v63;
	v35 =	vmul.f32 v58, v58;
	v29 =	vld [tilespmem:s23+$0x570];
	v48 =	vadd.f32 v60, v54;
	s23 =	sadd.s32 $0x1, s13;
	(xrf2) =	vadd.scan.msk.f32 $0xffff, v53  }
.LBB2_6:
0x11b: {  	s26 =	smov.u32 s29  }
0x11c: {  	s28 =	sand.u32 $0x3800, s29;
	s30 =	sand.u32 $0x380, s25;
	v43 =	vadd.f32 v43, v49;
	v41 =	vadd.f32 v41, v46;
	v36 =	vmul.f32 v36, v36;
	s26 =	sadd.s32 $0x100, s29  }
0x11d: {  	p0 =	sne.s32 s29, $0x3F00;
	v46 =	vadd.f32 $0.0e+00, v47;
	v30 =	vmul.f32 v30, v30;
	s28 =	sor.u32 s30, s28;
	v45 =	vadd.f32 v45, v48  }
0x11e: {  	v39 =	vmul.f32 v39, v39;
	v28 =	vmul.f32 v28, v10;
	v41 =	vadd.f32 v37, v41;
	v47 =	vld [tilespmem:s28+$0x550];
	v37, _, _ =	vpop (xrf2)  }
0x11f: {  	v49 =	vmul.f32 v23, v8;
	v50 =	vmul.f32 v22, v22;
	v48 =	vld [tilespmem:s28+$0x510];
	v23 =	vand.u32 $0x7FFFFFFF, v37  }
0x120: {  	v25 =	vmul.f32 v25, v25;
	v30 =	vadd.f32 v30, v39;
	v22 =	vld [tilespmem:s28+$0x540];
	v37 =	vmul.f32 v23, v37  }
0x121: {  	v28 =	vadd.f32 v28, v44;
	v39 =	vmul.f32 v29, v1;
	v32 =	vadd.f32 v32, v45;
	v23 =	vld [tilespmem:s28+$0x500]  }
0x122: {  	v38 =	vadd.f32 v38, v46;
	v43 =	vadd.f32 v49, v43;
	v44 =	vmul.f32 v21, v21;
	v21 =	vld [tilespmem:s28+$0x560]  }
0x123: {  	v49 =	vadd.f32 v25, v30;
	v30 =	vmul.f32 v20, v20;
	v46 =	vmul.f32 v37, v19;
	v45 =	vld [tilespmem:s28+$0x570];
	v20 =	vmovc v47  }
0x124: {  	v34 =	vadd.f32 v36, v34;
	v28 =	vadd.f32 v42, v28;
	v42 =	vmul.f32 v29, v29;
	v47 =	vld [tilespmem:s28+$0x140];
	v29, _, _ =	vpop (xrf2)  }
0x125: {  	v36 =	vadd.f32 v40, v38;
	v40 =	vadd.f32 v30, v49;
	v25 =	vmovc v48;
	v51 =	vld [tilespmem:s28+$0x520];
	v38 =	vmul.f32 v29, v18  }
0x126: {  	v43 =	vadd.f32 v24, v43;
	v26 =	vadd.f32 v26, v28;
	v24 =	vmul.f32 v22, v4;
	v30 =	vld [tilespmem:s28+$0x150]  }
0x127: {  	v31 =	vadd.f32 v31, v35;
	v35 =	vadd.f32 v39, v36;
	v28 =	vld [tilespmem:s28+$0x160];
	vm0 =	vgt.f32 v46, v38  }
0x128: {  	v38 =	vadd.f32 v32, v43;
	v36 =	vld [tilespmem:s28+$0x170];
	v18 =	vsel vm0, v37, v18;
	v19 =	vsel vm0, v29, v19;
	v29 =	vmovc v45  }
0x129: {  	v27 =	vadd.f32 v27, v31;
	v31 =	vadd.f32 v35, v26;
	v17 =	vsel vm0, s24, v17;
	s24 =	smov.u32 s23;
	v48 =	vld [tilespmem:s28+$0x130]  }
0x12a: {  	v44 =	vadd.f32 v44, v41;
	v26 =	vmul.f32 v21, v2;
	v35 =	vld [tilespmem:s28+$0x100];
	v37 =	vmul.f32 v51, v51  }
0x12b: {  	v33 =	vadd.f32 v33, v34;
	v32 =	vmul.f32 v20, v3;
	v31 =	vadd.f32 v31, v38;
	v39 =	vld [tilespmem:s28+$0x110]  }
0x12c: {  	v45 =	vadd.f32 v50, v27;
	v43 =	vmul.f32 v47, v12;
	v46 =	vld [tilespmem:s28+$0x120];
	v41 =	vmul.f32 v28, v28  }
0x12d: {  	v33 =	vadd.f32 v42, v33;
	v27 =	vmul.f32 v23, v23;
	v38 =	vmul.f32 v36, v9;
	v50 =	vld [tilespmem:s28+$0x530];
	(xrf2) =	vadd.scan.msk.f32 $0xffff, v31  }
0x12e: {  	v40 =	vadd.f32 v40, v45;
	v42 =	vmul.f32 v30, v11;
	v34 =	vmul.f32 v48, v48  }
0x12f: {  	v33 =	vadd.f32 v33, v44;
	v31 =	vmul.f32 v47, v47;
	v49 =	vmul.f32 v35, v15  }
.Ltmp2:
0x130: {  	v45 =	vmul.f32 v25, v7;
	v44 =	vmul.f32 v39, v16;
	(pc) =	sbr.rel @p0 .LBB2_6-.Ltmp2, $4  }
0x131: {  	v33 =	vadd.f32 v33, v40;
	v47 =	vmul.f32 v46, v14;
	v46 =	vmul.f32 v46, v46  }
0x132: {  	v35 =	vmul.f32 v35, v35;
	v52 =	vadd.f32 $0.0e+00, v44;
	v40 =	vmul.f32 v50, v5  }
0x133: {  	v49 =	vadd.f32 $0.0e+00, v49;
	v44 =	vadd.f32 $0.0e+00, v47;
	v47 =	vmul.f32 v48, v13;
	(xrf2) =	vadd.scan.msk.f32 $0xffff, v33  }
0x134: {  	s25 =	sadd.s32 $0x80, s25;
	s29 =	smov.u32 s26;
	s23 =	sadd.s32 $0x1, s23;
	v33 =	vmul.f32 v50, v50;
	v48 =	vadd.f32 v42, v52;
	v42 =	vmul.f32 v51, v6  }
0x135: {  	v43 =	vadd.f32 v43, v49;
	v36 =	vmul.f32 v36, v36  }
0x136: {  	v41 =	vadd.f32 v41, v46;
	v30 =	vmul.f32 v30, v30;
	v39 =	vmul.f32 v39, v39  }
0x137: {  	v54 =	vadd.f32 $0.0e+00, v47;
	v28 =	vmul.f32 v28, v10;
	v45 =	vadd.f32 v45, v48  }
0x138: {  	v23 =	vmul.f32 v23, v8;
	v37 =	vadd.f32 v37, v41;
	v30 =	vadd.f32 v30, v39  }
0x139: {  	v25 =	vmul.f32 v25, v25;
	v28 =	vadd.f32 v28, v44;
	v38 =	vadd.f32 v38, v54  }
0x13a: {  	v23 =	vadd.f32 v23, v43;
	v32 =	vadd.f32 v32, v45  }
0x13b: {  	v20 =	vmul.f32 v20, v20;
	v25 =	vadd.f32 v25, v30;
	v30 =	vadd.f32 v36, v34  }
0x13c: {  	v22 =	vmul.f32 v22, v22;
	v28 =	vadd.f32 v42, v28;
	v55 =	vadd.f32 v40, v38  }
0x13d: {  	v56 =	vmul.f32 v29, v1;
	v20 =	vadd.f32 v20, v25;
	v25 =	vadd.f32 v31, v35  }
0x13e: {  	v21 =	vmul.f32 v21, v21;
	v23 =	vadd.f32 v24, v23;
	v24 =	vadd.f32 v26, v28  }
0x13f: {  	v26 =	vmul.f32 v29, v29;
	v25 =	vadd.f32 v27, v25;
	v27 =	vadd.f32 v33, v30  }
0x140: {  	v21 =	vadd.f32 v21, v37;
	v28 =	vadd.f32 v56, v55  }
0x141: {  	v22 =	vadd.f32 v22, v25;
	v25 =	vadd.f32 v26, v27  }
0x142: {  	v23 =	vadd.f32 v32, v23;
	v24 =	vadd.f32 v28, v24  }
0x143: {  	v20 =	vadd.f32 v20, v22;
	v21 =	vadd.f32 v25, v21  }
0x144: {  	v22 =	vadd.f32 v24, v23  }
0x145: {  	v20 =	vadd.f32 v21, v20  }
0x146: {  	(xrf2) =	vadd.scan.msk.f32 $0xffff, v22  }
0x147: {  	(xrf2) =	vadd.scan.msk.f32 $0xffff, v20;
	_ =	sdelay $0x6  }
0x148: {  	v20, _, _ =	vpop (xrf2)  }
0x149: {  	v21, _, _ =	vpop (xrf2)  }
0x14a: {  	v22, _, _ =	vpop (xrf2)  }
0x14b: {  	v23, _, _ =	vpop (xrf2)  }
0x14c: {  	s25 =	simm.s32 $0x0;
	_ =	swait.ge [sflag:s19], $0x4000  }
0x14d: {  	s26 =	sand.u32 $0x3800, s25;
	s25 =	sand.u32 $0x380, s25;
	[sflag:s19] =	ssyncset.done $0x0  }
0x14e: {  	s25 =	sor.u32 s25, s26;
	[sflag:s19] =	ssyncadd.s32 $0xFFFFC000  }
0x14f: {  	v26 =	vld [tilespmem:s25+$0x4550]  }
0x150: {  	v24 =	vld [tilespmem:s25+$0x4510]  }
0x151: {  	v27 =	vld [tilespmem:s25+$0x4540]  }
0x152: {  	v25 =	vand.u32 $0x7FFFFFFF, v20;
	v28 =	vld [tilespmem:s25+$0x4500]  }
0x153: {  	v20 =	vmul.f32 v25, v20;
	v29 =	vld [tilespmem:s25+$0x4560]  }
0x154: {  	v25 =	vld [tilespmem:s25+$0x4140]  }
0x155: {  	v31 =	vmul.f32 v21, v18;
	v30 =	vmul.f32 v20, v19;
	v32 =	vld [tilespmem:s25+$0x4520]  }
0x156: {  	v34 =	vld [tilespmem:s25+$0x4150]  }
0x157: {  	vm0 =	vgt.f32 v30, v31;
	v57 =	vand.u32 $0x7FFFFFFF, v22;
	v30 =	vld [tilespmem:s25+$0x4160]  }
0x158: {  	v18 =	vsel vm0, v20, v18;
	v19 =	vsel vm0, v21, v19;
	v22 =	vmul.f32 v57, v22;
	v21 =	vld [tilespmem:s25+$0x4170]  }
0x159: {  	v31 =	vmul.f32 v23, v18;
	v58 =	vld [tilespmem:s25+$0x4130]  }
0x15a: {  	v20 =	vmul.f32 v22, v19;
	v59 =	vld [tilespmem:s25+$0x4100];
	v35 =	vmul.f32 v27, v4  }
0x15b: {  	v60 =	vld [tilespmem:s25+$0x4110];
	v37 =	vmul.f32 v32, v32;
	v38 =	vmul.f32 v29, v2  }
0x15c: {  	v61 =	vld [tilespmem:s25+$0x4120];
	v40 =	vmul.f32 v26, v3;
	v62 =	vmul.f32 v25, v12  }
0x15d: {  	v63 =	vmul.f32 v30, v30;
	v52 =	vmul.f32 v21, v9  }
0x15e: {  	v54 =	vld [tilespmem:s25+$0x4530];
	vm15 =	vgt.f32 v20, v31;
	v53 =	vmul.f32 v28, v28;
	v31 =	vmul.f32 v58, v58  }
0x15f: {  	v18 =	vsel vm15, v22, v18;
	v20 =	vmul.f32 v34, v11;
	v22 =	vmul.f32 v59, v15  }
0x160: {  	v19 =	vsel vm15, v23, v19;
	v55 =	vmul.f32 v25, v25;
	v23 =	vmul.f32 v60, v16  }
0x161: {  	v56 =	vmul.f32 v24, v7;
	v25 =	vmul.f32 v61, v14  }
0x162: {  	v41 =	vmul.f32 v61, v61;
	v36 =	vmul.f32 v59, v59  }
0x163: {  	s30 =	simm.s32 $0x100;
	s31 =	simm.s32 $0x80;
	v17 =	vsel vm0, s24, v17;
	v57 =	vmul.f32 v54, v5;
	v34 =	vmul.f32 v34, v34  }
0x164: {  	s24 =	sand.u32 $0x380, s31;
	v17 =	vsel vm15, s23, v17;
	s23 =	sand.u32 $0x3800, s30;
	v39 =	vmul.f32 v60, v60;
	v30 =	vmul.f32 v30, v10  }
0x165: {  	s23 =	sor.u32 s24, s23;
	v61 =	vmul.f32 v21, v21;
	v23 =	vadd.f32 $0.0e+00, v23;
	v22 =	vadd.f32 $0.0e+00, v22  }
0x166: {  	v51 =	vld [tilespmem:s23+$0x4530];
	v60 =	vmul.f32 v24, v24;
	v50 =	vadd.f32 $0.0e+00, v25;
	v34 =	vadd.f32 v34, v39  }
0x167: {  	v24 =	vld [tilespmem:s23+$0x4500];
	v25 =	vmul.f32 v58, v13;
	v39 =	vadd.f32 v61, v31;
	v23 =	vadd.f32 v20, v23  }
0x168: {  	v32 =	vmul.f32 v32, v6;
	v21 =	vld [tilespmem:s23+$0x4560];
	v42 =	vadd.f32 v62, v22;
	v22 =	vadd.f32 v63, v41  }
0x169: {  	v28 =	vmul.f32 v28, v8;
	v58 =	vld [tilespmem:s25+$0x4570];
	v59 =	vadd.f32 $0.0e+00, v25;
	v30 =	vadd.f32 v30, v50  }
0x16a: {  	v46 =	vmul.f32 v54, v54;
	v31 =	vld [tilespmem:s23+$0x4150];
	v34 =	vadd.f32 v60, v34;
	v23 =	vadd.f32 v56, v23  }
0x16b: {  	v26 =	vmul.f32 v26, v26;
	v20 =	vld [tilespmem:s23+$0x4550];
	v43 =	vadd.f32 v37, v22;
	v28 =	vadd.f32 v28, v42  }
0x16c: {  	v27 =	vmul.f32 v27, v27;
	v50 =	vld [tilespmem:s23+$0x4520];
	v40 =	vadd.f32 v40, v23;
	v23 =	vadd.f32 v52, v59  }
0x16d: {  	v29 =	vmul.f32 v29, v29;
	v25 =	vld [tilespmem:s23+$0x4510];
	v32 =	vadd.f32 v32, v30;
	v63 =	vadd.f32 v26, v34  }
0x16e: {  	v41 =	vld [tilespmem:s23+$0x4140];
	v62 =	vmul.f32 v58, v1;
	v26 =	vadd.f32 v35, v28;
	v23 =	vadd.f32 v57, v23  }
0x16f: {  	v60 =	vld [tilespmem:s23+$0x4120];
	v33 =	vmul.f32 v58, v58;
	v28 =	vadd.f32 v55, v36;
	v32 =	vadd.f32 v38, v32  }
0x170: {  	v22 =	vld [tilespmem:s23+$0x4540];
	v59 =	vadd.f32 v29, v43;
	v52 =	vmul.f32 v31, v11;
	v55 =	vadd.f32 v62, v23  }
0x171: {  	v30 =	vld [tilespmem:s23+$0x4160];
	v29 =	vadd.f32 v46, v39;
	v39 =	vmul.f32 v51, v5;
	v37 =	vmul.f32 v50, v50  }
0x172: {  	v58 =	vld [tilespmem:s23+$0x4100];
	v34 =	vmul.f32 v20, v3;
	v56 =	vadd.f32 v40, v26;
	v32 =	vadd.f32 v55, v32  }
0x173: {  	v42 =	vmul.f32 v41, v12;
	v45 =	vmul.f32 v25, v7;
	v40 =	vld [tilespmem:s23+$0x4110]  }
0x174: {  	v38 =	vld [tilespmem:s23+$0x4170];
	v46 =	vmul.f32 v60, v60;
	v28 =	vadd.f32 v53, v28;
	v32 =	vadd.f32 v32, v56  }
0x175: {  	v57 =	vld [tilespmem:s23+$0x4130];
	v26 =	vmul.f32 v21, v2;
	v33 =	vadd.f32 v33, v29;
	v29 =	vmul.f32 v41, v41  }
0x176: {  	v43 =	vmul.f32 v30, v30;
	v23 =	vmul.f32 v22, v4;
	v28 =	vadd.f32 v27, v28;
	(xrf2) =	vadd.scan.msk.f32 $0xffff, v32  }
0x177: {  	v27 =	vmul.f32 v24, v24;
	v61 =	vmul.f32 v58, v15  }
0x178: {  	v33 =	vadd.f32 v33, v59;
	v28 =	vadd.f32 v63, v28;
	v62 =	vmul.f32 v40, v16  }
0x179: {  	v36 =	vmul.f32 v38, v9;
	v63 =	vmul.f32 v60, v14;
	v49 =	vadd.f32 $0.0e+00, v61  }
0x17a: {  	v35 =	vmul.f32 v57, v57;
	v53 =	vadd.f32 v33, v28;
	v41 =	vadd.f32 $0.0e+00, v62  }
0x17b: {  	s29 =	simm.s32 $0x200;
	v47 =	vmul.f32 v57, v13;
	v33 =	vmul.f32 v58, v58;
	v44 =	vadd.f32 $0.0e+00, v63  }
0x17c: {  	s24 =	smov.u32 s14;
	s25 =	simm.s32 $0x100;
	v28 =	vld [tilespmem:s23+$0x4570];
	s23 =	sadd.s32 $0x1, s14;
	v32 =	vmul.f32 v51, v51;
	(xrf2) =	vadd.scan.msk.f32 $0xffff, v53;
	v48 =	vadd.f32 v52, v41;
	v41 =	vmul.f32 v50, v6  }
.LBB2_8:
0x17d: {  	s26 =	smov.u32 s29  }
0x17e: {  	s28 =	sand.u32 $0x3800, s29;
	s30 =	sand.u32 $0x380, s25;
	v42 =	vadd.f32 v42, v49;
	v43 =	vadd.f32 v43, v46;
	v38 =	vmul.f32 v38, v38;
	s26 =	sadd.s32 $0x100, s29  }
0x17f: {  	p0 =	sne.s32 s29, $0x3F00;
	v46 =	vadd.f32 $0.0e+00, v47;
	v31 =	vmul.f32 v31, v31;
	s28 =	sor.u32 s30, s28;
	v45 =	vadd.f32 v45, v48  }
0x180: {  	v40 =	vmul.f32 v40, v40;
	v30 =	vmul.f32 v30, v10;
	v43 =	vadd.f32 v37, v43;
	v47 =	vld [tilespmem:s28+$0x4550];
	v37, _, _ =	vpop (xrf2)  }
0x181: {  	v49 =	vmul.f32 v24, v8;
	v50 =	vmul.f32 v22, v22;
	v48 =	vld [tilespmem:s28+$0x4510];
	v24 =	vand.u32 $0x7FFFFFFF, v37  }
0x182: {  	v25 =	vmul.f32 v25, v25;
	v31 =	vadd.f32 v31, v40;
	v22 =	vld [tilespmem:s28+$0x4540];
	v37 =	vmul.f32 v24, v37  }
0x183: {  	v30 =	vadd.f32 v30, v44;
	v40 =	vmul.f32 v28, v1;
	v34 =	vadd.f32 v34, v45;
	v24 =	vld [tilespmem:s28+$0x4500]  }
0x184: {  	v36 =	vadd.f32 v36, v46;
	v42 =	vadd.f32 v49, v42;
	v44 =	vmul.f32 v21, v21;
	v21 =	vld [tilespmem:s28+$0x4560]  }
0x185: {  	v49 =	vadd.f32 v25, v31;
	v31 =	vmul.f32 v20, v20;
	v46 =	vmul.f32 v37, v19;
	v45 =	vld [tilespmem:s28+$0x4570];
	v20 =	vmovc v47  }
0x186: {  	v35 =	vadd.f32 v38, v35;
	v30 =	vadd.f32 v41, v30;
	v41 =	vmul.f32 v28, v28;
	v47 =	vld [tilespmem:s28+$0x4140];
	v28, _, _ =	vpop (xrf2)  }
0x187: {  	v36 =	vadd.f32 v39, v36;
	v39 =	vadd.f32 v31, v49;
	v25 =	vmovc v48;
	v51 =	vld [tilespmem:s28+$0x4520];
	v38 =	vmul.f32 v28, v18  }
0x188: {  	v42 =	vadd.f32 v23, v42;
	v26 =	vadd.f32 v26, v30;
	v23 =	vmul.f32 v22, v4;
	v31 =	vld [tilespmem:s28+$0x4150]  }
0x189: {  	v29 =	vadd.f32 v29, v33;
	v33 =	vadd.f32 v40, v36;
	v30 =	vld [tilespmem:s28+$0x4160];
	vm0 =	vgt.f32 v46, v38  }
0x18a: {  	v36 =	vadd.f32 v34, v42;
	v38 =	vld [tilespmem:s28+$0x4170];
	v18 =	vsel vm0, v37, v18;
	v19 =	vsel vm0, v28, v19;
	v28 =	vmovc v45  }
0x18b: {  	v27 =	vadd.f32 v27, v29;
	v29 =	vadd.f32 v33, v26;
	v17 =	vsel vm0, s24, v17;
	s24 =	smov.u32 s23;
	v48 =	vld [tilespmem:s28+$0x4130]  }
0x18c: {  	v44 =	vadd.f32 v44, v43;
	v26 =	vmul.f32 v21, v2;
	v33 =	vld [tilespmem:s28+$0x4100];
	v37 =	vmul.f32 v51, v51  }
0x18d: {  	v32 =	vadd.f32 v32, v35;
	v34 =	vmul.f32 v20, v3;
	v29 =	vadd.f32 v29, v36;
	v40 =	vld [tilespmem:s28+$0x4110]  }
0x18e: {  	v45 =	vadd.f32 v50, v27;
	v42 =	vmul.f32 v47, v12;
	v46 =	vld [tilespmem:s28+$0x4120];
	v43 =	vmul.f32 v30, v30  }
0x18f: {  	v32 =	vadd.f32 v41, v32;
	v27 =	vmul.f32 v24, v24;
	v36 =	vmul.f32 v38, v9;
	v50 =	vld [tilespmem:s28+$0x4530];
	(xrf2) =	vadd.scan.msk.f32 $0xffff, v29  }
0x190: {  	v39 =	vadd.f32 v39, v45;
	v41 =	vmul.f32 v31, v11;
	v35 =	vmul.f32 v48, v48  }
0x191: {  	v32 =	vadd.f32 v32, v44;
	v29 =	vmul.f32 v47, v47;
	v49 =	vmul.f32 v33, v15  }
.Ltmp3:
0x192: {  	v45 =	vmul.f32 v25, v7;
	v44 =	vmul.f32 v40, v16;
	(pc) =	sbr.rel @p0 .LBB2_8-.Ltmp3, $4  }
0x193: {  	v32 =	vadd.f32 v32, v39;
	v47 =	vmul.f32 v46, v14;
	v46 =	vmul.f32 v46, v46  }
0x194: {  	v33 =	vmul.f32 v33, v33;
	v52 =	vadd.f32 $0.0e+00, v44;
	v39 =	vmul.f32 v50, v5  }
0x195: {  	v49 =	vadd.f32 $0.0e+00, v49;
	v44 =	vadd.f32 $0.0e+00, v47;
	v47 =	vmul.f32 v48, v13;
	(xrf2) =	vadd.scan.msk.f32 $0xffff, v32  }
0x196: {  	s25 =	sadd.s32 $0x80, s25;
	s29 =	smov.u32 s26;
	s23 =	sadd.s32 $0x1, s23;
	v32 =	vmul.f32 v50, v50;
	v48 =	vadd.f32 v41, v52;
	v41 =	vmul.f32 v51, v6  }
0x197: {  	v15 =	vmul.f32 v15, v15;
	v16 =	vmul.f32 v16, v16;
	_ =	sdelay $0x1  }
0x198: {  	v14 =	vmul.f32 v14, v14;
	v15 =	vadd.f32 v16, v15;
	_ =	sdelay $0x1  }
0x199: {  	v13 =	vmul.f32 v13, v13;
	v14 =	vadd.f32 v14, v15  }
0x19a: {  	v54 =	vadd.f32 v42, v49;
	v55 =	vadd.f32 v43, v46  }
0x19b: {  	v56 =	vmul.f32 v38, v38;
	v12 =	vmul.f32 v12, v12;
	v13 =	vadd.f32 v13, v14  }
0x19c: {  	v57 =	vadd.f32 $0.0e+00, v47;
	v31 =	vmul.f32 v31, v31;
	v59 =	vmul.f32 v40, v40  }
0x19d: {  	v11 =	vmul.f32 v11, v11;
	v58 =	vadd.f32 v45, v48;
	v12 =	vadd.f32 v12, v13  }
0x19e: {  	v30 =	vmul.f32 v30, v10;
	v24 =	vmul.f32 v24, v8;
	v51 =	vadd.f32 v29, v33  }
0x19f: {  	v63 =	vadd.f32 v34, v58;
	v34 =	vmul.f32 v10, v10;
	v11 =	vadd.f32 v11, v12  }
0x1a0: {  	v61 =	vmul.f32 v25, v25;
	v37 =	vadd.f32 v37, v55;
	v60 =	vadd.f32 v31, v59  }
0x1a1: {  	v9 =	vmul.f32 v9, v9;
	v62 =	vadd.f32 v30, v44;
	v10 =	vadd.f32 v34, v11  }
0x1a2: {  	v40 =	vmul.f32 v22, v22;
	v42 =	vadd.f32 v36, v57;
	v16 =	vadd.f32 v24, v54  }
0x1a3: {  	v47 =	vmul.f32 v8, v8;
	v44 =	vadd.f32 v56, v35;
	v9 =	vadd.f32 v9, v10  }
0x1a4: {  	v50 =	vmul.f32 v21, v21;
	v45 =	vadd.f32 v41, v62;
	v46 =	vadd.f32 v39, v42  }
0x1a5: {  	v7 =	vmul.f32 v7, v7;
	v49 =	vadd.f32 v23, v16;
	v8 =	vadd.f32 v47, v9  }
0x1a6: {  	v6 =	vmul.f32 v6, v6;
	v16 =	vadd.f32 v27, v51;
	v53 =	vadd.f32 v50, v37  }
0x1a7: {  	v48 =	vmul.f32 v28, v1;
	v15 =	vadd.f32 v26, v45;
	v7 =	vadd.f32 v7, v8  }
0x1a8: {  	v43 =	vmul.f32 v20, v20;
	v14 =	vadd.f32 v32, v44;
	v13 =	vadd.f32 v61, v60  }
0x1a9: {  	v5 =	vmul.f32 v5, v5;
	v10 =	vadd.f32 v48, v46;
	v6 =	vadd.f32 v6, v7  }
0x1aa: {  	v52 =	vmul.f32 v28, v28;
	v11 =	vadd.f32 v43, v13;
	v13 =	vadd.f32 v63, v49  }
0x1ab: {  	v4 =	vmul.f32 v4, v4;
	v10 =	vadd.f32 v10, v15;
	v5 =	vadd.f32 v5, v6  }
0x1ac: {  	v54 =	vadd.f32 v40, v16;
	v8 =	vadd.f32 v52, v14  }
0x1ad: {  	v3 =	vmul.f32 v3, v3;
	v55 =	vadd.f32 v10, v13;
	v4 =	vadd.f32 v4, v5  }
0x1ae: {  	v9 =	vadd.f32 v11, v54;
	v7 =	vadd.f32 v8, v53  }
0x1af: {  	v2 =	vmul.f32 v2, v2;
	(xrf2) =	vadd.scan.msk.f32 $0xffff, v55;
	v3 =	vadd.f32 v3, v4  }
0x1b0: {  	v56 =	vadd.f32 v7, v9  }
0x1b1: {  	v2 =	vadd.f32 v2, v3  }
0x1b2: {  	v1 =	vmul.f32 v1, v1;
	(xrf2) =	vadd.scan.msk.f32 $0xffff, v56;
	_ =	sdelay $0x1  }
0x1b3: {  	v1 =	vadd.f32 v1, v2  }
0x1b4: {  	v2, _, _ =	vpop (xrf2)  }
0x1b5: {  	(xrf2) =	vadd.scan.msk.f32 $0xffff, v1;
	v3 =	vand.u32 $0x7FFFFFFF, v2  }
0x1b6: {  	v1 =	vmul.f32 v3, v2  }
0x1b7: {  	v2, _, _ =	vpop (xrf2)  }
0x1b8: {  	v58 =	vmul.f32 v2, v18;
	v3, _, _ =	vpop (xrf2);
	v57 =	vmul.f32 v1, v19  }
0x1b9: {  	v59 =	vand.u32 $0x7FFFFFFF, v3  }
0x1ba: {  	vm0 =	vgt.f32 v57, v58;
	v3 =	vmul.f32 v59, v3  }
0x1bb: {  	v60, _, _ =	vpop (xrf2);
	v1 =	vsel vm0, v1, v18;
	v2 =	vsel vm0, v2, v19  }
0x1bc: {  	v61 =	vmul.f32 v3, v2;
	v62 =	vmul.f32 v60, v1;
	_ =	sdelay $0x1  }
0x1bd: {  	vm1 =	vgt.f32 v61, v62  }
0x1be: {  	v63, _, _ =	vpop (xrf2);
	v2 =	vsel vm1, v60, v2  }
0x1bf: {  	v4 =	vperm.xlane v63, v0;
	v2 =	vperm.xlane v2, v0;
	_ =	sdelay $0x1  }
0x1c0: {  	v4 =	vmax.f32 v4, $1.000000020e-24;
	v2 =	vmax.f32 v2, $1.000000020e-24  }
0x1c1: {  	v2 =	vmul.f32 v2, v4;
	_ =	sdelay $0x1  }
0x1c2: {  	(erf) = vrcp.f32 v2;
	_ =	sdelay $0x6  }
0x1c3: {  	v1 =	vsel vm1, v3, v1  }
0x1c4: {  	v1 =	vperm.xlane v1, v0  }
0x1c5: {  	v2 =	vpop (erf)  }
0x1c6: {  	v1 =	vmul.f32 v2, v1  }
0x1c7: {  	v2 =	vsel vm0, s24, v17  }
0x1c8: {  	v2 =	vsel vm1, s23, v2;
	v1 =	vmax.f32 v1, $0.0e+00  }
0x1c9: {  	v2 =	vperm.xlane v2, v0;
	v1 =	vmin.f32 v1, $1.000000000e+00  }
0x1ca: {  	[tilespmem:$0x8100] =	vst v1  }
0x1cb: {  	[tilespmem:$0x8180] =	vst v2  }
0x1cc: {  	[hbm4b:s8+s3] =	stream.linear.scatter [tilespmem:s20], [sflag:$0x3], $0x80, $0x38;
	[tilespmem:$0x8200] =	vst v63  }
0x1cd: {  	s22 =	sadd.s32 $0x1, s22;
	_ =	swait.ge [sflag:s15], $0x80  }
0x1ce: {  	p0 =	sne.s32 s22, s11;
	[sflag:s15] =	ssyncset.done $0x0  }
.Ltmp4:
0x1cf: {  	[sflag:s15] =	ssyncadd.s32 $0xFFFFFF80;
	(pc) =	sbr.rel @p0 .LBB2_1-.Ltmp4, $4  }
0x1d0: {  	[hbm4b:s9+s3] =	stream.linear.scatter [tilespmem:s21], [sflag:$0x3], $0x80, $0x38;
	[tilespmem:$0x8200] =	vst v63  }
0x1d1: {  	_ =	swait.ge [sflag:s15], $0x80  }
0x1d2: {  	[sflag:s15] =	ssyncset.done $0x0  }
0x1d3: {  	[sflag:s15] =	ssyncadd.s32 $0xFFFFFF80  }
0x1d4: {  	_ =	sfence.sel $0x180000  }
0x1d5: {  	[bflag:$0x0] =	sbarrier.arrive $0xFFFF  }
0x1d6: {  	p0 =	sne.s32 s2, $0x0;
	_ =	strace $0x90000047  }
0x1d7: {  	s0 =	sadd.s32 @!p0 $0x100000, s1;
	[bflag:$0x2] =	sbarrier.arrive $0xFFFF  }
0x1d8: {  	[sflag:s0] =	ssyncadd.tile.s32 @!p0 $0x1;
	_ =	shalt  }
.Lfunc_end2:
_tile_overlayer_lowered:
.L_overlay_start_2:
0x1d9: {  	(tag) =	ssettag $0x2  }
0x1da: {  	s0 =	rddreg [dreg:$0x0];
	s2 =	stileid.u32  }
0x1db: {  	s1 =	rddreg [dreg:$0x1];
	p0 =	sne.s32 s2, $0x0  }
0x1dc: {  	s3 =	rddreg [dreg:$0x2];
	[bflag:$0x3] =	sbarrier.arrive $0xFFFF;
	s2 =	simm.s32 @!p0 $0x1C03  }
0x1dd: {  	[timem:s3], [sflag:s2] =	dma.local @!p0 [hbm:s0], s1  }
0x1de: {  	s0 =	simm.s32 @!p0 $0x3  }
0x1df: {  	_ =	swait.ge @!p0 [sflag:s0], s1  }
0x1e0: {  	s1 =	ssub.s32 @!p0 $0x0, s1;
	[sflag:s0] =	ssyncset.done @!p0 $0x0  }
0x1e1: {  	[sflag:s0] =	ssyncadd.s32 @!p0 s1  }
0x1e2: {  	[bflag:$0x3] =	sbarrier.arrive $0xFFFF  }
0x1e3: {  	_ =	shalt  }

</sc_bundles>
